<compile_context>
chip_gen: v7x
topology: tpu7x:2x2x1
jax: 0.10.2.dev20260603
libtpu: 0.0.44.dev20260713+nightly
codegen_flags: <defaults>
</compile_context>

<pallas_src>
import functools

import jax
import jax.numpy as jnp
from jax import lax
from jax.experimental import pallas as pl
from jax.experimental.pallas import tpu as pltpu
from jax.experimental.pallas import tpu_sc as plsc

B = 4096
T = 200
E = 64
VI = 1000000
VC = 100000
BT = B * T
NC = 2
NS = 16
NW = NC * NS
CHUNK = 128
SEQ_PER_W = BT // NW
SEQ_CHUNKS = SEQ_PER_W // CHUNK
TGT_PER_W = B // NW

RB = 16
SEQ_ROWS = RB * T
SEQ_GRID = BT // SEQ_ROWS
TGT_ROWS = 1024
TGT_GRID = B // TGT_ROWS



def _sc_gather_body(item_tab, cate_tab,
                    hist_i, hist_c, tgt_i, tgt_c,
                    gcat_out, tcat_out,
                    idx_i, idx_c, bi, bc, bi2, bc2,
                    sem_a, sem_b, sem_a2, sem_b2):
    wid = lax.axis_index("s") * NC + lax.axis_index("c")
    pltpu.sync_copy(hist_i.at[pl.ds(wid * SEQ_CHUNKS, SEQ_CHUNKS)], idx_i)
    pltpu.sync_copy(hist_c.at[pl.ds(wid * SEQ_CHUNKS, SEQ_CHUNKS)], idx_c)
    base = wid * SEQ_PER_W

    def fire(j, slot_i, slot_c, sa, sb):
        pltpu.async_copy(item_tab.at[idx_i.at[j]], slot_i, sa)
        pltpu.async_copy(cate_tab.at[idx_c.at[j]], slot_c, sb)

    def drain_and_store(j, slot_i, slot_c, sa, sb):
        pltpu.make_async_copy(item_tab.at[pl.ds(0, CHUNK)], slot_i, sa).wait()
        pltpu.sync_copy(slot_i.at[pl.ds(0, CHUNK), pl.ds(E, E)],
                        gcat_out.at[pl.ds(base + j * CHUNK, CHUNK),
                                    pl.ds(0, E)])
        pltpu.make_async_copy(cate_tab.at[pl.ds(0, CHUNK)], slot_c, sb).wait()
        pltpu.sync_copy(slot_c.at[pl.ds(0, CHUNK), pl.ds(E, E)],
                        gcat_out.at[pl.ds(base + j * CHUNK, CHUNK),
                                    pl.ds(E, E)])

    fire(0, bi, bc, sem_a, sem_b)

    def body(t, carry):
        j0 = 2 * t
        fire(j0 + 1, bi2, bc2, sem_a2, sem_b2)
        drain_and_store(j0, bi, bc, sem_a, sem_b)

        @pl.when(t < SEQ_CHUNKS // 2 - 1)
        def _():
            fire(j0 + 2, bi, bc, sem_a, sem_b)

        drain_and_store(j0 + 1, bi2, bc2, sem_a2, sem_b2)
        return carry

    lax.fori_loop(0, SEQ_CHUNKS // 2, body, 0)

    pltpu.sync_copy(tgt_i.at[pl.ds(wid, 1)], idx_i.at[pl.ds(0, 1)])
    pltpu.sync_copy(tgt_c.at[pl.ds(wid, 1)], idx_c.at[pl.ds(0, 1)])
    ca = pltpu.async_copy(item_tab.at[idx_i.at[0]], bi, sem_a)
    cb = pltpu.async_copy(cate_tab.at[idx_c.at[0]], bc, sem_b)
    ca.wait()
    pltpu.sync_copy(bi.at[pl.ds(0, CHUNK), pl.ds(0, E)],
                    tcat_out.at[pl.ds(wid * TGT_PER_W, TGT_PER_W),
                                pl.ds(0, E)])
    cb.wait()
    pltpu.sync_copy(bc.at[pl.ds(0, CHUNK), pl.ds(0, E)],
                    tcat_out.at[pl.ds(wid * TGT_PER_W, TGT_PER_W),
                                pl.ds(E, E)])


_sc_gather = functools.partial(
    pl.kernel,
    mesh=plsc.VectorSubcoreMesh(core_axis_name="c", subcore_axis_name="s",
                                num_cores=NC, num_subcores=NS),
    out_type=[
        jax.ShapeDtypeStruct((BT, 2 * E), jnp.float32),
        jax.ShapeDtypeStruct((B, 2 * E), jnp.float32),
    ],
    scratch_types=[
        pltpu.VMEM((SEQ_CHUNKS, CHUNK), jnp.int32),
        pltpu.VMEM((SEQ_CHUNKS, CHUNK), jnp.int32),
        pltpu.VMEM((CHUNK, 2 * E), jnp.float32),
        pltpu.VMEM((CHUNK, 2 * E), jnp.float32),
        pltpu.VMEM((CHUNK, 2 * E), jnp.float32),
        pltpu.VMEM((CHUNK, 2 * E), jnp.float32),
        pltpu.SemaphoreType.DMA,
        pltpu.SemaphoreType.DMA,
        pltpu.SemaphoreType.DMA,
        pltpu.SemaphoreType.DMA,
    ],
    compiler_params=pltpu.CompilerParams(use_tc_tiling_on_sc=False),
)(_sc_gather_body)



def _seq_body(gcat_ref, wp_ref, pos_ref, out_ref):
    out_ref[...] = (
        jnp.dot(gcat_ref[...], wp_ref[...], preferred_element_type=jnp.float32)
        + pos_ref[...]
    )


def _seq_project(gcat, wp, pos_tiled):
    return pl.pallas_call(
        _seq_body,
        grid=(SEQ_GRID,),
        in_specs=[
            pl.BlockSpec((SEQ_ROWS, 2 * E), lambda i: (i, 0)),
            pl.BlockSpec((2 * E, 2 * E), lambda i: (0, 0)),
            pl.BlockSpec((SEQ_ROWS, 2 * E), lambda i: (0, 0)),
        ],
        out_specs=pl.BlockSpec((SEQ_ROWS, 2 * E), lambda i: (i, 0)),
        out_shape=jax.ShapeDtypeStruct((BT, 2 * E), jnp.float32),
        compiler_params=pltpu.CompilerParams(
            dimension_semantics=("parallel",)),
    )(gcat, wp, pos_tiled)



def _tgt_body(tcat_ref, w1_ref, b1_ref, w2_ref, b2_ref, out_ref):
    h = (jnp.dot(tcat_ref[...], w1_ref[...], preferred_element_type=jnp.float32)
         + b1_ref[...])
    h = jnp.maximum(h, 0.0)
    out_ref[...] = (
        jnp.dot(h, w2_ref[...], preferred_element_type=jnp.float32) + b2_ref[...]
    )


def _tgt_mlp(tcat, w1, b1, w2, b2):
    return pl.pallas_call(
        _tgt_body,
        grid=(TGT_GRID,),
        in_specs=[
            pl.BlockSpec((TGT_ROWS, 2 * E), lambda i: (i, 0)),
            pl.BlockSpec((2 * E, 256), lambda i: (0, 0)),
            pl.BlockSpec((1, 256), lambda i: (0, 0)),
            pl.BlockSpec((256, 2 * E), lambda i: (0, 0)),
            pl.BlockSpec((1, 2 * E), lambda i: (0, 0)),
        ],
        out_specs=pl.BlockSpec((TGT_ROWS, 2 * E), lambda i: (i, 0)),
        out_shape=jax.ShapeDtypeStruct((B, 2 * E), jnp.float32),
        compiler_params=pltpu.CompilerParams(
            dimension_semantics=("parallel",)),
    )(tcat, w1, b1, w2, b2)



def kernel(target_item_id, target_cate_id, hist_item_ids, hist_cate_ids,
           tgt_item_table, tgt_cate_table, W1, b1, W2, b2,
           seq_item_table, seq_cate_table, Wp, pos_table):
    hist_i = hist_item_ids.astype(jnp.int32).reshape(BT // CHUNK, CHUNK)
    hist_c = hist_cate_ids.astype(jnp.int32).reshape(BT // CHUNK, CHUNK)
    tgt_i = target_item_id.astype(jnp.int32).reshape(NW, TGT_PER_W)
    tgt_c = target_cate_id.astype(jnp.int32).reshape(NW, TGT_PER_W)

    item_tab = jnp.concatenate([tgt_item_table[:VI], seq_item_table[:VI]],
                               axis=1)
    cate_tab = jnp.concatenate([tgt_cate_table[:VC], seq_cate_table[:VC]],
                               axis=1)
    gcat, tcat = _sc_gather(item_tab, cate_tab,
                            hist_i, hist_c, tgt_i, tgt_c)

    pos_tiled = jnp.tile(pos_table, (RB, 1))
    seq = _seq_project(gcat, Wp, pos_tiled).reshape(B, T, 2 * E)

    proj = _tgt_mlp(tcat, W1, b1.reshape(1, -1), W2, b2.reshape(1, -1))
    query = proj.reshape(B, 4, 32)
    return (query, seq)

# --- scband reference (transcript-rebuilt; emitter-appended) ---
"""Pipeline reference for scband-feature-encoder-32779190403403 (READ-ONLY COPY).

The authoritative reference and input builder live on the scoring server;
editing this copy changes nothing except your own understanding.
"""

import jax, jax.numpy as jnp
import numpy as np

B = 4096
T = 200
E = 64
N = 4
D = 32
ND = N * D
VI = 1000000
VC = 100000
MLP_H = 256


def _xavier(key, fan_in, fan_out):
    limit = jnp.sqrt(6.0 / (fan_in + fan_out))
    return jax.random.uniform(key, (fan_in, fan_out), minval=-limit, maxval=limit, dtype=jnp.float32)


def setup_inputs(seed: int = 0) -> dict:
    key = jax.random.key(seed)
    ks = jax.random.split(key, 16)
    target_item_id = jax.random.randint(ks[0], (B,), 0, VI)
    target_cate_id = jax.random.randint(ks[1], (B,), 0, VC)
    hist_item_ids = jax.random.randint(ks[2], (B, T), 0, VI)
    hist_cate_ids = jax.random.randint(ks[3], (B, T), 0, VC)
    # embedding tables (padding row 0 zeroed, std=0.02 init)
    tgt_item_table = (jax.random.normal(ks[4], (VI + 1, E), dtype=jnp.float32) * 0.02).at[0].set(0.0)
    tgt_cate_table = (jax.random.normal(ks[5], (VC + 1, E), dtype=jnp.float32) * 0.02).at[0].set(0.0)
    seq_item_table = (jax.random.normal(ks[6], (VI + 1, E), dtype=jnp.float32) * 0.02).at[0].set(0.0)
    seq_cate_table = (jax.random.normal(ks[7], (VC + 1, E), dtype=jnp.float32) * 0.02).at[0].set(0.0)
    # target MLP: Linear(2E -> 256) + ReLU + Linear(256 -> N*D)
    W1 = _xavier(ks[8], 2 * E, MLP_H)
    b1 = jnp.zeros((MLP_H,), dtype=jnp.float32)
    W2 = _xavier(ks[9], MLP_H, ND)
    b2 = jnp.zeros((ND,), dtype=jnp.float32)
    # sequence projection (no bias) and positional embedding
    Wp = _xavier(ks[10], 2 * E, ND)
    pos_table = jax.random.normal(ks[11], (T, ND), dtype=jnp.float32) * 0.02
    return {
        'target_item_id': target_item_id,
        'target_cate_id': target_cate_id,
        'hist_item_ids': hist_item_ids,
        'hist_cate_ids': hist_cate_ids,
        'tgt_item_table': tgt_item_table,
        'tgt_cate_table': tgt_cate_table,
        'W1': W1, 'b1': b1, 'W2': W2, 'b2': b2,
        'seq_item_table': seq_item_table,
        'seq_cate_table': seq_cate_table,
        'Wp': Wp,
        'pos_table': pos_table,
    }


def reference(target_item_id, target_cate_id, hist_item_ids, hist_cate_ids,
              tgt_item_table, tgt_cate_table, W1, b1, W2, b2,
              seq_item_table, seq_cate_table, Wp, pos_table):
    # --- encode_target ---
    item_emb = jnp.take(tgt_item_table, target_item_id, axis=0)   # (B, E)
    cate_emb = jnp.take(tgt_cate_table, target_cate_id, axis=0)   # (B, E)
    concat = jnp.concatenate([item_emb, cate_emb], axis=-1)        # (B, 2E)
    h = jax.nn.relu(concat @ W1 + b1)                              # (B, 256)
    projected = h @ W2 + b2                                        # (B, N*D)
    query = projected.reshape(-1, N, D)                            # (B, N, D)
    # --- encode_sequence ---
    seq_item_emb = jnp.take(seq_item_table, hist_item_ids, axis=0) # (B, T, E)
    seq_cate_emb = jnp.take(seq_cate_table, hist_cate_ids, axis=0) # (B, T, E)
    seq_concat = jnp.concatenate([seq_item_emb, seq_cate_emb], axis=-1)  # (B, T, 2E)
    seq = seq_concat @ Wp                                          # (B, T, N*D)
    pos_emb = pos_table[jnp.arange(T)][None, :, :]                 # (1, T, N*D)
    seq = seq + pos_emb
    return (query, seq)

if __name__ == "__main__":
    import jax
    _d = setup_inputs()
    print(jax.jit(kernel)(*tuple(_d.values())))

</pallas_src>

<mosaic_0001>
#map = affine_map<(d0, d1) -> (0, 0)>
module attributes {stable_mosaic.version = 14 : i64} {
  func.func @_sc_gather_body(%arg0: i32, %arg1: i32, %arg2: memref<1000000x128xf32, #tpu.memory_space<hbm>>, %arg3: memref<100000x128xf32, #tpu.memory_space<hbm>>, %arg4: memref<6400x128xi32, #tpu.memory_space<hbm>>, %arg5: memref<6400x128xi32, #tpu.memory_space<hbm>>, %arg6: memref<32x128xi32, #tpu.memory_space<hbm>>, %arg7: memref<32x128xi32, #tpu.memory_space<hbm>>, %arg8: memref<819200x128xf32, #tpu.memory_space<hbm>>, %arg9: memref<4096x128xf32, #tpu.memory_space<hbm>>, %arg10: memref<200x128xi32, #tpu.memory_space<vmem>>, %arg11: memref<200x128xi32, #tpu.memory_space<vmem>>, %arg12: memref<128x128xf32, #tpu.memory_space<vmem>>, %arg13: memref<128x128xf32, #tpu.memory_space<vmem>>, %arg14: memref<128x128xf32, #tpu.memory_space<vmem>>, %arg15: memref<128x128xf32, #tpu.memory_space<vmem>>, %arg16: memref<!tpu.dma_semaphore, #tpu.memory_space<semaphore_mem>>, %arg17: memref<!tpu.dma_semaphore, #tpu.memory_space<semaphore_mem>>, %arg18: memref<!tpu.dma_semaphore, #tpu.memory_space<semaphore_mem>>, %arg19: memref<!tpu.dma_semaphore, #tpu.memory_space<semaphore_mem>>) attributes {dimension_semantics = [#tpu.dimension_semantics<core_parallel>, #tpu.dimension_semantics<subcore_parallel>], iteration_bounds = array<i64: 2, 16>, scalar_prefetch = 0 : i64, scratch_operands = 10 : i64, tpu.core_type = #tpu.core_type<sc_vector_subcore>, window_params = [{transform_indices = #map}, {transform_indices = #map}, {transform_indices = #map}, {transform_indices = #map}, {transform_indices = #map}, {transform_indices = #map}, {transform_indices = #map}, {transform_indices = #map}]} {
    %mul3A = arith.constant 2 : i32
    %mul3A_0 = arith.muli %arg1, %mul3A : i32
    %add3A = arith.addi %mul3A_0, %arg0 : i32
    %mul3A_1 = arith.constant 200 : i32
    %mul3A_2 = arith.muli %add3A, %mul3A_1 : i32
    "tpu.region"() ({
      %run_scoped3A = tpu.sem_alloc : memref<!tpu.dma_semaphore, #tpu.memory_space<semaphore_mem>>
      %dma_start3A_56 = arith.constant 0 : i32
      %dma_start3A_57 = tpu.memref_slice %arg4[%mul3A_2, %dma_start3A_56] : memref<6400x128xi32, #tpu.memory_space<hbm>> -> memref<200x128xi32, #tpu.memory_space<hbm>>
      %dma_start3A_58 = arith.constant 0 : i32
      %dma_start3A_59 = tpu.memref_slice %arg4[%mul3A_2, %dma_start3A_58] : memref<6400x128xi32, #tpu.memory_space<hbm>> -> memref<200x128xi32, #tpu.memory_space<hbm>>
      tpu.enqueue_dma source(%dma_start3A_59 : memref<200x128xi32, #tpu.memory_space<hbm>>) target(%arg10 : memref<200x128xi32, #tpu.memory_space<vmem>>) target_semaphore(%run_scoped3A : memref<!tpu.dma_semaphore, #tpu.memory_space<semaphore_mem>>)
      %dma_wait3A_60 = arith.constant 0 : i32
      %dma_wait3A_61 = tpu.memref_slice %arg4[%mul3A_2, %dma_wait3A_60] : memref<6400x128xi32, #tpu.memory_space<hbm>> -> memref<200x128xi32, #tpu.memory_space<hbm>>
      %dma_wait3A_62 = arith.constant 0 : i32
      %dma_wait3A_63 = tpu.memref_slice %arg4[%mul3A_2, %dma_wait3A_62] : memref<6400x128xi32, #tpu.memory_space<hbm>> -> memref<200x128xi32, #tpu.memory_space<hbm>>
      tpu.wait_dma2 semaphore(%run_scoped3A : memref<!tpu.dma_semaphore, #tpu.memory_space<semaphore_mem>>) src(%dma_wait3A_63 : memref<200x128xi32, #tpu.memory_space<hbm>>) dst(%arg10 : memref<200x128xi32, #tpu.memory_space<vmem>>)
      tpu.yield
    }) : () -> ()
    %mul3A_3 = arith.constant 200 : i32
    %mul3A_4 = arith.muli %add3A, %mul3A_3 : i32
    "tpu.region"() ({
      %run_scoped3A = tpu.sem_alloc : memref<!tpu.dma_semaphore, #tpu.memory_space<semaphore_mem>>
      %dma_start3A_56 = arith.constant 0 : i32
      %dma_start3A_57 = tpu.memref_slice %arg5[%mul3A_4, %dma_start3A_56] : memref<6400x128xi32, #tpu.memory_space<hbm>> -> memref<200x128xi32, #tpu.memory_space<hbm>>
      %dma_start3A_58 = arith.constant 0 : i32
      %dma_start3A_59 = tpu.memref_slice %arg5[%mul3A_4, %dma_start3A_58] : memref<6400x128xi32, #tpu.memory_space<hbm>> -> memref<200x128xi32, #tpu.memory_space<hbm>>
      tpu.enqueue_dma source(%dma_start3A_59 : memref<200x128xi32, #tpu.memory_space<hbm>>) target(%arg11 : memref<200x128xi32, #tpu.memory_space<vmem>>) target_semaphore(%run_scoped3A : memref<!tpu.dma_semaphore, #tpu.memory_space<semaphore_mem>>)
      %dma_wait3A_60 = arith.constant 0 : i32
      %dma_wait3A_61 = tpu.memref_slice %arg5[%mul3A_4, %dma_wait3A_60] : memref<6400x128xi32, #tpu.memory_space<hbm>> -> memref<200x128xi32, #tpu.memory_space<hbm>>
      %dma_wait3A_62 = arith.constant 0 : i32
      %dma_wait3A_63 = tpu.memref_slice %arg5[%mul3A_4, %dma_wait3A_62] : memref<6400x128xi32, #tpu.memory_space<hbm>> -> memref<200x128xi32, #tpu.memory_space<hbm>>
      tpu.wait_dma2 semaphore(%run_scoped3A : memref<!tpu.dma_semaphore, #tpu.memory_space<semaphore_mem>>) src(%dma_wait3A_63 : memref<200x128xi32, #tpu.memory_space<hbm>>) dst(%arg11 : memref<200x128xi32, #tpu.memory_space<vmem>>)
      tpu.yield
    }) : () -> ()
    %mul3A_5 = arith.constant 25600 : i32
    %mul3A_6 = arith.muli %add3A, %mul3A_5 : i32
    %dma_start3A = arith.constant 0 : i32
    %dma_start3A_7 = arith.constant 0 : i32
    %dma_start3A_8 = tpu.memref_slice %arg10[%dma_start3A, %dma_start3A_7] : memref<200x128xi32, #tpu.memory_space<vmem>> -> memref<1x128xi32, #tpu.memory_space<vmem>>
    %dma_start3A_9 = tpu.memref_squeeze %dma_start3A_8 : memref<1x128xi32, #tpu.memory_space<vmem>> -> memref<128xi32, #tpu.memory_space<vmem>>
    %dma_start3A_10 = arith.constant 0 : i32
    %dma_start3A_11 = arith.constant 0 : i32
    %dma_start3A_12 = tpu.memref_slice %arg2[%dma_start3A_10, %dma_start3A_11] : memref<1000000x128xf32, #tpu.memory_space<hbm>> -> memref<1000000x128xf32, #tpu.memory_space<hbm>>
    tpu.enqueue_indirect_dma source(%dma_start3A_12 : memref<1000000x128xf32, #tpu.memory_space<hbm>>) target(%arg12 : memref<128x128xf32, #tpu.memory_space<vmem>>) offsets(%dma_start3A_9 : memref<128xi32, #tpu.memory_space<vmem>>) semaphore(%arg16 : memref<!tpu.dma_semaphore, #tpu.memory_space<semaphore_mem>>)
    %dma_start3A_13 = arith.constant 0 : i32
    %dma_start3A_14 = arith.constant 0 : i32
    %dma_start3A_15 = tpu.memref_slice %arg11[%dma_start3A_13, %dma_start3A_14] : memref<200x128xi32, #tpu.memory_space<vmem>> -> memref<1x128xi32, #tpu.memory_space<vmem>>
    %dma_start3A_16 = tpu.memref_squeeze %dma_start3A_15 : memref<1x128xi32, #tpu.memory_space<vmem>> -> memref<128xi32, #tpu.memory_space<vmem>>
    %dma_start3A_17 = arith.constant 0 : i32
    %dma_start3A_18 = arith.constant 0 : i32
    %dma_start3A_19 = tpu.memref_slice %arg3[%dma_start3A_17, %dma_start3A_18] : memref<100000x128xf32, #tpu.memory_space<hbm>> -> memref<100000x128xf32, #tpu.memory_space<hbm>>
    tpu.enqueue_indirect_dma source(%dma_start3A_19 : memref<100000x128xf32, #tpu.memory_space<hbm>>) target(%arg13 : memref<128x128xf32, #tpu.memory_space<vmem>>) offsets(%dma_start3A_16 : memref<128xi32, #tpu.memory_space<vmem>>) semaphore(%arg17 : memref<!tpu.dma_semaphore, #tpu.memory_space<semaphore_mem>>)
    %scan3A = arith.constant 0 : i32
    %scan3A_20 = arith.constant 0 : i32
    %scan3A_21 = arith.constant 100 : i32
    %scan3A_22 = arith.addi %scan3A_20, %scan3A_21 : i32
    %scan3A_23 = arith.constant 1 : i32
    scf.for %scan3A_56 = %scan3A_20 to %scan3A_22 step %scan3A_23  : i32 {
      %mul3A_57 = arith.constant 2 : i32
      %mul3A_58 = arith.muli %mul3A_57, %scan3A_56 : i32
      %add3A_59 = arith.constant 1 : i32
      %add3A_60 = arith.addi %mul3A_58, %add3A_59 : i32
      %dma_start3A_61 = arith.constant 0 : i32
      %dma_start3A_62 = tpu.memref_slice %arg10[%add3A_60, %dma_start3A_61] : memref<200x128xi32, #tpu.memory_space<vmem>> -> memref<1x128xi32, #tpu.memory_space<vmem>>
      %dma_start3A_63 = tpu.memref_squeeze %dma_start3A_62 : memref<1x128xi32, #tpu.memory_space<vmem>> -> memref<128xi32, #tpu.memory_space<vmem>>
      %dma_start3A_64 = arith.constant 0 : i32
      %dma_start3A_65 = arith.constant 0 : i32
      %dma_start3A_66 = tpu.memref_slice %arg2[%dma_start3A_64, %dma_start3A_65] : memref<1000000x128xf32, #tpu.memory_space<hbm>> -> memref<1000000x128xf32, #tpu.memory_space<hbm>>
      tpu.enqueue_indirect_dma source(%dma_start3A_66 : memref<1000000x128xf32, #tpu.memory_space<hbm>>) target(%arg14 : memref<128x128xf32, #tpu.memory_space<vmem>>) offsets(%dma_start3A_63 : memref<128xi32, #tpu.memory_space<vmem>>) semaphore(%arg18 : memref<!tpu.dma_semaphore, #tpu.memory_space<semaphore_mem>>)
      %dma_start3A_67 = arith.constant 0 : i32
      %dma_start3A_68 = tpu.memref_slice %arg11[%add3A_60, %dma_start3A_67] : memref<200x128xi32, #tpu.memory_space<vmem>> -> memref<1x128xi32, #tpu.memory_space<vmem>>
      %dma_start3A_69 = tpu.memref_squeeze %dma_start3A_68 : memref<1x128xi32, #tpu.memory_space<vmem>> -> memref<128xi32, #tpu.memory_space<vmem>>
      %dma_start3A_70 = arith.constant 0 : i32
      %dma_start3A_71 = arith.constant 0 : i32
      %dma_start3A_72 = tpu.memref_slice %arg3[%dma_start3A_70, %dma_start3A_71] : memref<100000x128xf32, #tpu.memory_space<hbm>> -> memref<100000x128xf32, #tpu.memory_space<hbm>>
      tpu.enqueue_indirect_dma source(%dma_start3A_72 : memref<100000x128xf32, #tpu.memory_space<hbm>>) target(%arg15 : memref<128x128xf32, #tpu.memory_space<vmem>>) offsets(%dma_start3A_69 : memref<128xi32, #tpu.memory_space<vmem>>) semaphore(%arg19 : memref<!tpu.dma_semaphore, #tpu.memory_space<semaphore_mem>>)
      %dma_wait3A_73 = arith.constant 0 : i32
      %dma_wait3A_74 = arith.constant 0 : i32
      %dma_wait3A_75 = tpu.memref_slice %arg2[%dma_wait3A_73, %dma_wait3A_74] : memref<1000000x128xf32, #tpu.memory_space<hbm>> -> memref<128x128xf32, #tpu.memory_space<hbm>>
      %dma_wait3A_76 = arith.constant 0 : i32
      %dma_wait3A_77 = arith.constant 0 : i32
      %dma_wait3A_78 = tpu.memref_slice %arg2[%dma_wait3A_76, %dma_wait3A_77] : memref<1000000x128xf32, #tpu.memory_space<hbm>> -> memref<128x128xf32, #tpu.memory_space<hbm>>
      tpu.wait_dma2 semaphore(%arg16 : memref<!tpu.dma_semaphore, #tpu.memory_space<semaphore_mem>>) src(%dma_wait3A_78 : memref<128x128xf32, #tpu.memory_space<hbm>>) dst(%arg12 : memref<128x128xf32, #tpu.memory_space<vmem>>)
      %mul3A_79 = arith.constant 128 : i32
      %mul3A_80 = arith.muli %mul3A_58, %mul3A_79 : i32
      %add3A_81 = arith.addi %mul3A_6, %mul3A_80 : i32
      "tpu.region"() ({
        %run_scoped3A = tpu.sem_alloc : memref<!tpu.dma_semaphore, #tpu.memory_space<semaphore_mem>>
        %dma_start3A_113 = arith.constant 0 : i32
        %dma_start3A_114 = arith.constant 64 : i32
        %dma_start3A_115 = tpu.memref_slice %arg12[%dma_start3A_113, %dma_start3A_114] : memref<128x128xf32, #tpu.memory_space<vmem>> -> memref<128x64xf32, #tpu.memory_space<vmem>>
        %dma_start3A_116 = arith.constant 0 : i32
        %dma_start3A_117 = tpu.memref_slice %arg8[%add3A_81, %dma_start3A_116] : memref<819200x128xf32, #tpu.memory_space<hbm>> -> memref<128x64xf32, #tpu.memory_space<hbm>>
        %dma_start3A_118 = arith.constant 0 : i32
        %dma_start3A_119 = tpu.memref_slice %arg8[%add3A_81, %dma_start3A_118] : memref<819200x128xf32, #tpu.memory_space<hbm>> -> memref<128x64xf32, #tpu.memory_space<hbm>>
        %dma_start3A_120 = arith.constant 0 : i32
        %dma_start3A_121 = arith.constant 64 : i32
        %dma_start3A_122 = tpu.memref_slice %arg12[%dma_start3A_120, %dma_start3A_121] : memref<128x128xf32, #tpu.memory_space<vmem>> -> memref<128x64xf32, #tpu.memory_space<vmem>>
        tpu.enqueue_dma source(%dma_start3A_122 : memref<128x64xf32, #tpu.memory_space<vmem>>) target(%dma_start3A_119 : memref<128x64xf32, #tpu.memory_space<hbm>>) target_semaphore(%run_scoped3A : memref<!tpu.dma_semaphore, #tpu.memory_space<semaphore_mem>>)
        %dma_wait3A_123 = arith.constant 0 : i32
        %dma_wait3A_124 = arith.constant 64 : i32
        %dma_wait3A_125 = tpu.memref_slice %arg12[%dma_wait3A_123, %dma_wait3A_124] : memref<128x128xf32, #tpu.memory_space<vmem>> -> memref<128x64xf32, #tpu.memory_space<vmem>>
        %dma_wait3A_126 = arith.constant 0 : i32
        %dma_wait3A_127 = tpu.memref_slice %arg8[%add3A_81, %dma_wait3A_126] : memref<819200x128xf32, #tpu.memory_space<hbm>> -> memref<128x64xf32, #tpu.memory_space<hbm>>
        %dma_wait3A_128 = arith.constant 0 : i32
        %dma_wait3A_129 = tpu.memref_slice %arg8[%add3A_81, %dma_wait3A_128] : memref<819200x128xf32, #tpu.memory_space<hbm>> -> memref<128x64xf32, #tpu.memory_space<hbm>>
        %dma_wait3A_130 = arith.constant 0 : i32
        %dma_wait3A_131 = arith.constant 64 : i32
        %dma_wait3A_132 = tpu.memref_slice %arg12[%dma_wait3A_130, %dma_wait3A_131] : memref<128x128xf32, #tpu.memory_space<vmem>> -> memref<128x64xf32, #tpu.memory_space<vmem>>
        tpu.wait_dma2 semaphore(%run_scoped3A : memref<!tpu.dma_semaphore, #tpu.memory_space<semaphore_mem>>) src(%dma_wait3A_132 : memref<128x64xf32, #tpu.memory_space<vmem>>) dst(%dma_wait3A_129 : memref<128x64xf32, #tpu.memory_space<hbm>>)
        tpu.yield
      }) : () -> ()
      %dma_wait3A_82 = arith.constant 0 : i32
      %dma_wait3A_83 = arith.constant 0 : i32
      %dma_wait3A_84 = tpu.memref_slice %arg3[%dma_wait3A_82, %dma_wait3A_83] : memref<100000x128xf32, #tpu.memory_space<hbm>> -> memref<128x128xf32, #tpu.memory_space<hbm>>
      %dma_wait3A_85 = arith.constant 0 : i32
      %dma_wait3A_86 = arith.constant 0 : i32
      %dma_wait3A_87 = tpu.memref_slice %arg3[%dma_wait3A_85, %dma_wait3A_86] : memref<100000x128xf32, #tpu.memory_space<hbm>> -> memref<128x128xf32, #tpu.memory_space<hbm>>
      tpu.wait_dma2 semaphore(%arg17 : memref<!tpu.dma_semaphore, #tpu.memory_space<semaphore_mem>>) src(%dma_wait3A_87 : memref<128x128xf32, #tpu.memory_space<hbm>>) dst(%arg13 : memref<128x128xf32, #tpu.memory_space<vmem>>)
      %mul3A_88 = arith.constant 128 : i32
      %mul3A_89 = arith.muli %mul3A_58, %mul3A_88 : i32
      %add3A_90 = arith.addi %mul3A_6, %mul3A_89 : i32
      "tpu.region"() ({
        %run_scoped3A = tpu.sem_alloc : memref<!tpu.dma_semaphore, #tpu.memory_space<semaphore_mem>>
        %dma_start3A_113 = arith.constant 0 : i32
        %dma_start3A_114 = arith.constant 64 : i32
        %dma_start3A_115 = tpu.memref_slice %arg13[%dma_start3A_113, %dma_start3A_114] : memref<128x128xf32, #tpu.memory_space<vmem>> -> memref<128x64xf32, #tpu.memory_space<vmem>>
        %dma_start3A_116 = arith.constant 64 : i32
        %dma_start3A_117 = tpu.memref_slice %arg8[%add3A_90, %dma_start3A_116] : memref<819200x128xf32, #tpu.memory_space<hbm>> -> memref<128x64xf32, #tpu.memory_space<hbm>>
        %dma_start3A_118 = arith.constant 64 : i32
        %dma_start3A_119 = tpu.memref_slice %arg8[%add3A_90, %dma_start3A_118] : memref<819200x128xf32, #tpu.memory_space<hbm>> -> memref<128x64xf32, #tpu.memory_space<hbm>>
        %dma_start3A_120 = arith.constant 0 : i32
        %dma_start3A_121 = arith.constant 64 : i32
        %dma_start3A_122 = tpu.memref_slice %arg13[%dma_start3A_120, %dma_start3A_121] : memref<128x128xf32, #tpu.memory_space<vmem>> -> memref<128x64xf32, #tpu.memory_space<vmem>>
        tpu.enqueue_dma source(%dma_start3A_122 : memref<128x64xf32, #tpu.memory_space<vmem>>) target(%dma_start3A_119 : memref<128x64xf32, #tpu.memory_space<hbm>>) target_semaphore(%run_scoped3A : memref<!tpu.dma_semaphore, #tpu.memory_space<semaphore_mem>>)
        %dma_wait3A_123 = arith.constant 0 : i32
        %dma_wait3A_124 = arith.constant 64 : i32
        %dma_wait3A_125 = tpu.memref_slice %arg13[%dma_wait3A_123, %dma_wait3A_124] : memref<128x128xf32, #tpu.memory_space<vmem>> -> memref<128x64xf32, #tpu.memory_space<vmem>>
        %dma_wait3A_126 = arith.constant 64 : i32
        %dma_wait3A_127 = tpu.memref_slice %arg8[%add3A_90, %dma_wait3A_126] : memref<819200x128xf32, #tpu.memory_space<hbm>> -> memref<128x64xf32, #tpu.memory_space<hbm>>
        %dma_wait3A_128 = arith.constant 64 : i32
        %dma_wait3A_129 = tpu.memref_slice %arg8[%add3A_90, %dma_wait3A_128] : memref<819200x128xf32, #tpu.memory_space<hbm>> -> memref<128x64xf32, #tpu.memory_space<hbm>>
        %dma_wait3A_130 = arith.constant 0 : i32
        %dma_wait3A_131 = arith.constant 64 : i32
        %dma_wait3A_132 = tpu.memref_slice %arg13[%dma_wait3A_130, %dma_wait3A_131] : memref<128x128xf32, #tpu.memory_space<vmem>> -> memref<128x64xf32, #tpu.memory_space<vmem>>
        tpu.wait_dma2 semaphore(%run_scoped3A : memref<!tpu.dma_semaphore, #tpu.memory_space<semaphore_mem>>) src(%dma_wait3A_132 : memref<128x64xf32, #tpu.memory_space<vmem>>) dst(%dma_wait3A_129 : memref<128x64xf32, #tpu.memory_space<hbm>>)
        tpu.yield
      }) : () -> ()
      %lt3A = arith.constant 99 : i32
      %lt3A_91 = arith.cmpi slt, %scan3A_56, %lt3A : i32
      %convert_element_type3A = arith.extui %lt3A_91 : i1 to i32
      %cond3A = arith.constant 0 : i32
      %cond3A_92 = arith.cmpi ne, %convert_element_type3A, %cond3A : i32
      scf.if %cond3A_92 {
        %add3A_113 = arith.constant 2 : i32
        %add3A_114 = arith.addi %mul3A_58, %add3A_113 : i32
        %dma_start3A_115 = arith.constant 0 : i32
        %dma_start3A_116 = tpu.memref_slice %arg10[%add3A_114, %dma_start3A_115] : memref<200x128xi32, #tpu.memory_space<vmem>> -> memref<1x128xi32, #tpu.memory_space<vmem>>
        %dma_start3A_117 = tpu.memref_squeeze %dma_start3A_116 : memref<1x128xi32, #tpu.memory_space<vmem>> -> memref<128xi32, #tpu.memory_space<vmem>>
        %dma_start3A_118 = arith.constant 0 : i32
        %dma_start3A_119 = arith.constant 0 : i32
        %dma_start3A_120 = tpu.memref_slice %arg2[%dma_start3A_118, %dma_start3A_119] : memref<1000000x128xf32, #tpu.memory_space<hbm>> -> memref<1000000x128xf32, #tpu.memory_space<hbm>>
        tpu.enqueue_indirect_dma source(%dma_start3A_120 : memref<1000000x128xf32, #tpu.memory_space<hbm>>) target(%arg12 : memref<128x128xf32, #tpu.memory_space<vmem>>) offsets(%dma_start3A_117 : memref<128xi32, #tpu.memory_space<vmem>>) semaphore(%arg16 : memref<!tpu.dma_semaphore, #tpu.memory_space<semaphore_mem>>)
        %dma_start3A_121 = arith.constant 0 : i32
        %dma_start3A_122 = tpu.memref_slice %arg11[%add3A_114, %dma_start3A_121] : memref<200x128xi32, #tpu.memory_space<vmem>> -> memref<1x128xi32, #tpu.memory_space<vmem>>
        %dma_start3A_123 = tpu.memref_squeeze %dma_start3A_122 : memref<1x128xi32, #tpu.memory_space<vmem>> -> memref<128xi32, #tpu.memory_space<vmem>>
        %dma_start3A_124 = arith.constant 0 : i32
        %dma_start3A_125 = arith.constant 0 : i32
        %dma_start3A_126 = tpu.memref_slice %arg3[%dma_start3A_124, %dma_start3A_125] : memref<100000x128xf32, #tpu.memory_space<hbm>> -> memref<100000x128xf32, #tpu.memory_space<hbm>>
        tpu.enqueue_indirect_dma source(%dma_start3A_126 : memref<100000x128xf32, #tpu.memory_space<hbm>>) target(%arg13 : memref<128x128xf32, #tpu.memory_space<vmem>>) offsets(%dma_start3A_123 : memref<128xi32, #tpu.memory_space<vmem>>) semaphore(%arg17 : memref<!tpu.dma_semaphore, #tpu.memory_space<semaphore_mem>>)
      } else {
      }
      %add3A_93 = arith.constant 1 : i32
      %add3A_94 = arith.addi %mul3A_58, %add3A_93 : i32
      %dma_wait3A_95 = arith.constant 0 : i32
      %dma_wait3A_96 = arith.constant 0 : i32
      %dma_wait3A_97 = tpu.memref_slice %arg2[%dma_wait3A_95, %dma_wait3A_96] : memref<1000000x128xf32, #tpu.memory_space<hbm>> -> memref<128x128xf32, #tpu.memory_space<hbm>>
      %dma_wait3A_98 = arith.constant 0 : i32
      %dma_wait3A_99 = arith.constant 0 : i32
      %dma_wait3A_100 = tpu.memref_slice %arg2[%dma_wait3A_98, %dma_wait3A_99] : memref<1000000x128xf32, #tpu.memory_space<hbm>> -> memref<128x128xf32, #tpu.memory_space<hbm>>
      tpu.wait_dma2 semaphore(%arg18 : memref<!tpu.dma_semaphore, #tpu.memory_space<semaphore_mem>>) src(%dma_wait3A_100 : memref<128x128xf32, #tpu.memory_space<hbm>>) dst(%arg14 : memref<128x128xf32, #tpu.memory_space<vmem>>)
      %mul3A_101 = arith.constant 128 : i32
      %mul3A_102 = arith.muli %add3A_94, %mul3A_101 : i32
      %add3A_103 = arith.addi %mul3A_6, %mul3A_102 : i32
      "tpu.region"() ({
        %run_scoped3A = tpu.sem_alloc : memref<!tpu.dma_semaphore, #tpu.memory_space<semaphore_mem>>
        %dma_start3A_113 = arith.constant 0 : i32
        %dma_start3A_114 = arith.constant 64 : i32
        %dma_start3A_115 = tpu.memref_slice %arg14[%dma_start3A_113, %dma_start3A_114] : memref<128x128xf32, #tpu.memory_space<vmem>> -> memref<128x64xf32, #tpu.memory_space<vmem>>
        %dma_start3A_116 = arith.constant 0 : i32
        %dma_start3A_117 = tpu.memref_slice %arg8[%add3A_103, %dma_start3A_116] : memref<819200x128xf32, #tpu.memory_space<hbm>> -> memref<128x64xf32, #tpu.memory_space<hbm>>
        %dma_start3A_118 = arith.constant 0 : i32
        %dma_start3A_119 = tpu.memref_slice %arg8[%add3A_103, %dma_start3A_118] : memref<819200x128xf32, #tpu.memory_space<hbm>> -> memref<128x64xf32, #tpu.memory_space<hbm>>
        %dma_start3A_120 = arith.constant 0 : i32
        %dma_start3A_121 = arith.constant 64 : i32
        %dma_start3A_122 = tpu.memref_slice %arg14[%dma_start3A_120, %dma_start3A_121] : memref<128x128xf32, #tpu.memory_space<vmem>> -> memref<128x64xf32, #tpu.memory_space<vmem>>
        tpu.enqueue_dma source(%dma_start3A_122 : memref<128x64xf32, #tpu.memory_space<vmem>>) target(%dma_start3A_119 : memref<128x64xf32, #tpu.memory_space<hbm>>) target_semaphore(%run_scoped3A : memref<!tpu.dma_semaphore, #tpu.memory_space<semaphore_mem>>)
        %dma_wait3A_123 = arith.constant 0 : i32
        %dma_wait3A_124 = arith.constant 64 : i32
        %dma_wait3A_125 = tpu.memref_slice %arg14[%dma_wait3A_123, %dma_wait3A_124] : memref<128x128xf32, #tpu.memory_space<vmem>> -> memref<128x64xf32, #tpu.memory_space<vmem>>
        %dma_wait3A_126 = arith.constant 0 : i32
        %dma_wait3A_127 = tpu.memref_slice %arg8[%add3A_103, %dma_wait3A_126] : memref<819200x128xf32, #tpu.memory_space<hbm>> -> memref<128x64xf32, #tpu.memory_space<hbm>>
        %dma_wait3A_128 = arith.constant 0 : i32
        %dma_wait3A_129 = tpu.memref_slice %arg8[%add3A_103, %dma_wait3A_128] : memref<819200x128xf32, #tpu.memory_space<hbm>> -> memref<128x64xf32, #tpu.memory_space<hbm>>
        %dma_wait3A_130 = arith.constant 0 : i32
        %dma_wait3A_131 = arith.constant 64 : i32
        %dma_wait3A_132 = tpu.memref_slice %arg14[%dma_wait3A_130, %dma_wait3A_131] : memref<128x128xf32, #tpu.memory_space<vmem>> -> memref<128x64xf32, #tpu.memory_space<vmem>>
        tpu.wait_dma2 semaphore(%run_scoped3A : memref<!tpu.dma_semaphore, #tpu.memory_space<semaphore_mem>>) src(%dma_wait3A_132 : memref<128x64xf32, #tpu.memory_space<vmem>>) dst(%dma_wait3A_129 : memref<128x64xf32, #tpu.memory_space<hbm>>)
        tpu.yield
      }) : () -> ()
      %dma_wait3A_104 = arith.constant 0 : i32
      %dma_wait3A_105 = arith.constant 0 : i32
      %dma_wait3A_106 = tpu.memref_slice %arg3[%dma_wait3A_104, %dma_wait3A_105] : memref<100000x128xf32, #tpu.memory_space<hbm>> -> memref<128x128xf32, #tpu.memory_space<hbm>>
      %dma_wait3A_107 = arith.constant 0 : i32
      %dma_wait3A_108 = arith.constant 0 : i32
      %dma_wait3A_109 = tpu.memref_slice %arg3[%dma_wait3A_107, %dma_wait3A_108] : memref<100000x128xf32, #tpu.memory_space<hbm>> -> memref<128x128xf32, #tpu.memory_space<hbm>>
      tpu.wait_dma2 semaphore(%arg19 : memref<!tpu.dma_semaphore, #tpu.memory_space<semaphore_mem>>) src(%dma_wait3A_109 : memref<128x128xf32, #tpu.memory_space<hbm>>) dst(%arg15 : memref<128x128xf32, #tpu.memory_space<vmem>>)
      %mul3A_110 = arith.constant 128 : i32
      %mul3A_111 = arith.muli %add3A_94, %mul3A_110 : i32
      %add3A_112 = arith.addi %mul3A_6, %mul3A_111 : i32
      "tpu.region"() ({
        %run_scoped3A = tpu.sem_alloc : memref<!tpu.dma_semaphore, #tpu.memory_space<semaphore_mem>>
        %dma_start3A_113 = arith.constant 0 : i32
        %dma_start3A_114 = arith.constant 64 : i32
        %dma_start3A_115 = tpu.memref_slice %arg15[%dma_start3A_113, %dma_start3A_114] : memref<128x128xf32, #tpu.memory_space<vmem>> -> memref<128x64xf32, #tpu.memory_space<vmem>>
        %dma_start3A_116 = arith.constant 64 : i32
        %dma_start3A_117 = tpu.memref_slice %arg8[%add3A_112, %dma_start3A_116] : memref<819200x128xf32, #tpu.memory_space<hbm>> -> memref<128x64xf32, #tpu.memory_space<hbm>>
        %dma_start3A_118 = arith.constant 64 : i32
        %dma_start3A_119 = tpu.memref_slice %arg8[%add3A_112, %dma_start3A_118] : memref<819200x128xf32, #tpu.memory_space<hbm>> -> memref<128x64xf32, #tpu.memory_space<hbm>>
        %dma_start3A_120 = arith.constant 0 : i32
        %dma_start3A_121 = arith.constant 64 : i32
        %dma_start3A_122 = tpu.memref_slice %arg15[%dma_start3A_120, %dma_start3A_121] : memref<128x128xf32, #tpu.memory_space<vmem>> -> memref<128x64xf32, #tpu.memory_space<vmem>>
        tpu.enqueue_dma source(%dma_start3A_122 : memref<128x64xf32, #tpu.memory_space<vmem>>) target(%dma_start3A_119 : memref<128x64xf32, #tpu.memory_space<hbm>>) target_semaphore(%run_scoped3A : memref<!tpu.dma_semaphore, #tpu.memory_space<semaphore_mem>>)
        %dma_wait3A_123 = arith.constant 0 : i32
        %dma_wait3A_124 = arith.constant 64 : i32
        %dma_wait3A_125 = tpu.memref_slice %arg15[%dma_wait3A_123, %dma_wait3A_124] : memref<128x128xf32, #tpu.memory_space<vmem>> -> memref<128x64xf32, #tpu.memory_space<vmem>>
        %dma_wait3A_126 = arith.constant 64 : i32
        %dma_wait3A_127 = tpu.memref_slice %arg8[%add3A_112, %dma_wait3A_126] : memref<819200x128xf32, #tpu.memory_space<hbm>> -> memref<128x64xf32, #tpu.memory_space<hbm>>
        %dma_wait3A_128 = arith.constant 64 : i32
        %dma_wait3A_129 = tpu.memref_slice %arg8[%add3A_112, %dma_wait3A_128] : memref<819200x128xf32, #tpu.memory_space<hbm>> -> memref<128x64xf32, #tpu.memory_space<hbm>>
        %dma_wait3A_130 = arith.constant 0 : i32
        %dma_wait3A_131 = arith.constant 64 : i32
        %dma_wait3A_132 = tpu.memref_slice %arg15[%dma_wait3A_130, %dma_wait3A_131] : memref<128x128xf32, #tpu.memory_space<vmem>> -> memref<128x64xf32, #tpu.memory_space<vmem>>
        tpu.wait_dma2 semaphore(%run_scoped3A : memref<!tpu.dma_semaphore, #tpu.memory_space<semaphore_mem>>) src(%dma_wait3A_132 : memref<128x64xf32, #tpu.memory_space<vmem>>) dst(%dma_wait3A_129 : memref<128x64xf32, #tpu.memory_space<hbm>>)
        tpu.yield
      }) : () -> ()
    }
    %scan3A_24 = arith.constant 100 : i32
    "tpu.region"() ({
      %run_scoped3A = tpu.sem_alloc : memref<!tpu.dma_semaphore, #tpu.memory_space<semaphore_mem>>
      %dma_start3A_56 = arith.constant 0 : i32
      %dma_start3A_57 = arith.constant 0 : i32
      %dma_start3A_58 = tpu.memref_slice %arg10[%dma_start3A_56, %dma_start3A_57] : memref<200x128xi32, #tpu.memory_space<vmem>> -> memref<1x128xi32, #tpu.memory_space<vmem>>
      %dma_start3A_59 = arith.constant 0 : i32
      %dma_start3A_60 = tpu.memref_slice %arg6[%add3A, %dma_start3A_59] : memref<32x128xi32, #tpu.memory_space<hbm>> -> memref<1x128xi32, #tpu.memory_space<hbm>>
      %dma_start3A_61 = arith.constant 0 : i32
      %dma_start3A_62 = arith.constant 0 : i32
      %dma_start3A_63 = tpu.memref_slice %arg10[%dma_start3A_61, %dma_start3A_62] : memref<200x128xi32, #tpu.memory_space<vmem>> -> memref<1x128xi32, #tpu.memory_space<vmem>>
      %dma_start3A_64 = arith.constant 0 : i32
      %dma_start3A_65 = tpu.memref_slice %arg6[%add3A, %dma_start3A_64] : memref<32x128xi32, #tpu.memory_space<hbm>> -> memref<1x128xi32, #tpu.memory_space<hbm>>
      tpu.enqueue_dma source(%dma_start3A_65 : memref<1x128xi32, #tpu.memory_space<hbm>>) target(%dma_start3A_63 : memref<1x128xi32, #tpu.memory_space<vmem>>) target_semaphore(%run_scoped3A : memref<!tpu.dma_semaphore, #tpu.memory_space<semaphore_mem>>)
      %dma_wait3A_66 = arith.constant 0 : i32
      %dma_wait3A_67 = arith.constant 0 : i32
      %dma_wait3A_68 = tpu.memref_slice %arg10[%dma_wait3A_66, %dma_wait3A_67] : memref<200x128xi32, #tpu.memory_space<vmem>> -> memref<1x128xi32, #tpu.memory_space<vmem>>
      %dma_wait3A_69 = arith.constant 0 : i32
      %dma_wait3A_70 = tpu.memref_slice %arg6[%add3A, %dma_wait3A_69] : memref<32x128xi32, #tpu.memory_space<hbm>> -> memref<1x128xi32, #tpu.memory_space<hbm>>
      %dma_wait3A_71 = arith.constant 0 : i32
      %dma_wait3A_72 = arith.constant 0 : i32
      %dma_wait3A_73 = tpu.memref_slice %arg10[%dma_wait3A_71, %dma_wait3A_72] : memref<200x128xi32, #tpu.memory_space<vmem>> -> memref<1x128xi32, #tpu.memory_space<vmem>>
      %dma_wait3A_74 = arith.constant 0 : i32
      %dma_wait3A_75 = tpu.memref_slice %arg6[%add3A, %dma_wait3A_74] : memref<32x128xi32, #tpu.memory_space<hbm>> -> memref<1x128xi32, #tpu.memory_space<hbm>>
      tpu.wait_dma2 semaphore(%run_scoped3A : memref<!tpu.dma_semaphore, #tpu.memory_space<semaphore_mem>>) src(%dma_wait3A_75 : memref<1x128xi32, #tpu.memory_space<hbm>>) dst(%dma_wait3A_73 : memref<1x128xi32, #tpu.memory_space<vmem>>)
      tpu.yield
    }) : () -> ()
    "tpu.region"() ({
      %run_scoped3A = tpu.sem_alloc : memref<!tpu.dma_semaphore, #tpu.memory_space<semaphore_mem>>
      %dma_start3A_56 = arith.constant 0 : i32
      %dma_start3A_57 = arith.constant 0 : i32
      %dma_start3A_58 = tpu.memref_slice %arg11[%dma_start3A_56, %dma_start3A_57] : memref<200x128xi32, #tpu.memory_space<vmem>> -> memref<1x128xi32, #tpu.memory_space<vmem>>
      %dma_start3A_59 = arith.constant 0 : i32
      %dma_start3A_60 = tpu.memref_slice %arg7[%add3A, %dma_start3A_59] : memref<32x128xi32, #tpu.memory_space<hbm>> -> memref<1x128xi32, #tpu.memory_space<hbm>>
      %dma_start3A_61 = arith.constant 0 : i32
      %dma_start3A_62 = arith.constant 0 : i32
      %dma_start3A_63 = tpu.memref_slice %arg11[%dma_start3A_61, %dma_start3A_62] : memref<200x128xi32, #tpu.memory_space<vmem>> -> memref<1x128xi32, #tpu.memory_space<vmem>>
      %dma_start3A_64 = arith.constant 0 : i32
      %dma_start3A_65 = tpu.memref_slice %arg7[%add3A, %dma_start3A_64] : memref<32x128xi32, #tpu.memory_space<hbm>> -> memref<1x128xi32, #tpu.memory_space<hbm>>
      tpu.enqueue_dma source(%dma_start3A_65 : memref<1x128xi32, #tpu.memory_space<hbm>>) target(%dma_start3A_63 : memref<1x128xi32, #tpu.memory_space<vmem>>) target_semaphore(%run_scoped3A : memref<!tpu.dma_semaphore, #tpu.memory_space<semaphore_mem>>)
      %dma_wait3A_66 = arith.constant 0 : i32
      %dma_wait3A_67 = arith.constant 0 : i32
      %dma_wait3A_68 = tpu.memref_slice %arg11[%dma_wait3A_66, %dma_wait3A_67] : memref<200x128xi32, #tpu.memory_space<vmem>> -> memref<1x128xi32, #tpu.memory_space<vmem>>
      %dma_wait3A_69 = arith.constant 0 : i32
      %dma_wait3A_70 = tpu.memref_slice %arg7[%add3A, %dma_wait3A_69] : memref<32x128xi32, #tpu.memory_space<hbm>> -> memref<1x128xi32, #tpu.memory_space<hbm>>
      %dma_wait3A_71 = arith.constant 0 : i32
      %dma_wait3A_72 = arith.constant 0 : i32
      %dma_wait3A_73 = tpu.memref_slice %arg11[%dma_wait3A_71, %dma_wait3A_72] : memref<200x128xi32, #tpu.memory_space<vmem>> -> memref<1x128xi32, #tpu.memory_space<vmem>>
      %dma_wait3A_74 = arith.constant 0 : i32
      %dma_wait3A_75 = tpu.memref_slice %arg7[%add3A, %dma_wait3A_74] : memref<32x128xi32, #tpu.memory_space<hbm>> -> memref<1x128xi32, #tpu.memory_space<hbm>>
      tpu.wait_dma2 semaphore(%run_scoped3A : memref<!tpu.dma_semaphore, #tpu.memory_space<semaphore_mem>>) src(%dma_wait3A_75 : memref<1x128xi32, #tpu.memory_space<hbm>>) dst(%dma_wait3A_73 : memref<1x128xi32, #tpu.memory_space<vmem>>)
      tpu.yield
    }) : () -> ()
    %dma_start3A_25 = arith.constant 0 : i32
    %dma_start3A_26 = arith.constant 0 : i32
    %dma_start3A_27 = tpu.memref_slice %arg10[%dma_start3A_25, %dma_start3A_26] : memref<200x128xi32, #tpu.memory_space<vmem>> -> memref<1x128xi32, #tpu.memory_space<vmem>>
    %dma_start3A_28 = tpu.memref_squeeze %dma_start3A_27 : memref<1x128xi32, #tpu.memory_space<vmem>> -> memref<128xi32, #tpu.memory_space<vmem>>
    %dma_start3A_29 = arith.constant 0 : i32
    %dma_start3A_30 = arith.constant 0 : i32
    %dma_start3A_31 = tpu.memref_slice %arg2[%dma_start3A_29, %dma_start3A_30] : memref<1000000x128xf32, #tpu.memory_space<hbm>> -> memref<1000000x128xf32, #tpu.memory_space<hbm>>
    tpu.enqueue_indirect_dma source(%dma_start3A_31 : memref<1000000x128xf32, #tpu.memory_space<hbm>>) target(%arg12 : memref<128x128xf32, #tpu.memory_space<vmem>>) offsets(%dma_start3A_28 : memref<128xi32, #tpu.memory_space<vmem>>) semaphore(%arg16 : memref<!tpu.dma_semaphore, #tpu.memory_space<semaphore_mem>>)
    %dma_start3A_32 = arith.constant 0 : i32
    %dma_start3A_33 = arith.constant 0 : i32
    %dma_start3A_34 = tpu.memref_slice %arg11[%dma_start3A_32, %dma_start3A_33] : memref<200x128xi32, #tpu.memory_space<vmem>> -> memref<1x128xi32, #tpu.memory_space<vmem>>
    %dma_start3A_35 = tpu.memref_squeeze %dma_start3A_34 : memref<1x128xi32, #tpu.memory_space<vmem>> -> memref<128xi32, #tpu.memory_space<vmem>>
    %dma_start3A_36 = arith.constant 0 : i32
    %dma_start3A_37 = arith.constant 0 : i32
    %dma_start3A_38 = tpu.memref_slice %arg3[%dma_start3A_36, %dma_start3A_37] : memref<100000x128xf32, #tpu.memory_space<hbm>> -> memref<100000x128xf32, #tpu.memory_space<hbm>>
    tpu.enqueue_indirect_dma source(%dma_start3A_38 : memref<100000x128xf32, #tpu.memory_space<hbm>>) target(%arg13 : memref<128x128xf32, #tpu.memory_space<vmem>>) offsets(%dma_start3A_35 : memref<128xi32, #tpu.memory_space<vmem>>) semaphore(%arg17 : memref<!tpu.dma_semaphore, #tpu.memory_space<semaphore_mem>>)
    %dma_wait3A = arith.constant 0 : i32
    %dma_wait3A_39 = arith.constant 0 : i32
    %dma_wait3A_40 = tpu.memref_slice %arg10[%dma_wait3A, %dma_wait3A_39] : memref<200x128xi32, #tpu.memory_space<vmem>> -> memref<1x128xi32, #tpu.memory_space<vmem>>
    %dma_wait3A_41 = tpu.memref_squeeze %dma_wait3A_40 : memref<1x128xi32, #tpu.memory_space<vmem>> -> memref<128xi32, #tpu.memory_space<vmem>>
    %dma_wait3A_42 = arith.constant 0 : i32
    %dma_wait3A_43 = arith.constant 0 : i32
    %dma_wait3A_44 = tpu.memref_slice %arg2[%dma_wait3A_42, %dma_wait3A_43] : memref<1000000x128xf32, #tpu.memory_space<hbm>> -> memref<1000000x128xf32, #tpu.memory_space<hbm>>
    tpu.wait_indirect_dma semaphore(%arg16 : memref<!tpu.dma_semaphore, #tpu.memory_space<semaphore_mem>>) src(%dma_wait3A_44 : memref<1000000x128xf32, #tpu.memory_space<hbm>>) dst(%arg12 : memref<128x128xf32, #tpu.memory_space<vmem>>)
    %mul3A_45 = arith.constant 128 : i32
    %mul3A_46 = arith.muli %add3A, %mul3A_45 : i32
    "tpu.region"() ({
      %run_scoped3A = tpu.sem_alloc : memref<!tpu.dma_semaphore, #tpu.memory_space<semaphore_mem>>
      %dma_start3A_56 = arith.constant 0 : i32
      %dma_start3A_57 = arith.constant 0 : i32
      %dma_start3A_58 = tpu.memref_slice %arg12[%dma_start3A_56, %dma_start3A_57] : memref<128x128xf32, #tpu.memory_space<vmem>> -> memref<128x64xf32, #tpu.memory_space<vmem>>
      %dma_start3A_59 = arith.constant 0 : i32
      %dma_start3A_60 = tpu.memref_slice %arg9[%mul3A_46, %dma_start3A_59] : memref<4096x128xf32, #tpu.memory_space<hbm>> -> memref<128x64xf32, #tpu.memory_space<hbm>>
      %dma_start3A_61 = arith.constant 0 : i32
      %dma_start3A_62 = tpu.memref_slice %arg9[%mul3A_46, %dma_start3A_61] : memref<4096x128xf32, #tpu.memory_space<hbm>> -> memref<128x64xf32, #tpu.memory_space<hbm>>
      %dma_start3A_63 = arith.constant 0 : i32
      %dma_start3A_64 = arith.constant 0 : i32
      %dma_start3A_65 = tpu.memref_slice %arg12[%dma_start3A_63, %dma_start3A_64] : memref<128x128xf32, #tpu.memory_space<vmem>> -> memref<128x64xf32, #tpu.memory_space<vmem>>
      tpu.enqueue_dma source(%dma_start3A_65 : memref<128x64xf32, #tpu.memory_space<vmem>>) target(%dma_start3A_62 : memref<128x64xf32, #tpu.memory_space<hbm>>) target_semaphore(%run_scoped3A : memref<!tpu.dma_semaphore, #tpu.memory_space<semaphore_mem>>)
      %dma_wait3A_66 = arith.constant 0 : i32
      %dma_wait3A_67 = arith.constant 0 : i32
      %dma_wait3A_68 = tpu.memref_slice %arg12[%dma_wait3A_66, %dma_wait3A_67] : memref<128x128xf32, #tpu.memory_space<vmem>> -> memref<128x64xf32, #tpu.memory_space<vmem>>
      %dma_wait3A_69 = arith.constant 0 : i32
      %dma_wait3A_70 = tpu.memref_slice %arg9[%mul3A_46, %dma_wait3A_69] : memref<4096x128xf32, #tpu.memory_space<hbm>> -> memref<128x64xf32, #tpu.memory_space<hbm>>
      %dma_wait3A_71 = arith.constant 0 : i32
      %dma_wait3A_72 = tpu.memref_slice %arg9[%mul3A_46, %dma_wait3A_71] : memref<4096x128xf32, #tpu.memory_space<hbm>> -> memref<128x64xf32, #tpu.memory_space<hbm>>
      %dma_wait3A_73 = arith.constant 0 : i32
      %dma_wait3A_74 = arith.constant 0 : i32
      %dma_wait3A_75 = tpu.memref_slice %arg12[%dma_wait3A_73, %dma_wait3A_74] : memref<128x128xf32, #tpu.memory_space<vmem>> -> memref<128x64xf32, #tpu.memory_space<vmem>>
      tpu.wait_dma2 semaphore(%run_scoped3A : memref<!tpu.dma_semaphore, #tpu.memory_space<semaphore_mem>>) src(%dma_wait3A_75 : memref<128x64xf32, #tpu.memory_space<vmem>>) dst(%dma_wait3A_72 : memref<128x64xf32, #tpu.memory_space<hbm>>)
      tpu.yield
    }) : () -> ()
    %dma_wait3A_47 = arith.constant 0 : i32
    %dma_wait3A_48 = arith.constant 0 : i32
    %dma_wait3A_49 = tpu.memref_slice %arg11[%dma_wait3A_47, %dma_wait3A_48] : memref<200x128xi32, #tpu.memory_space<vmem>> -> memref<1x128xi32, #tpu.memory_space<vmem>>
    %dma_wait3A_50 = tpu.memref_squeeze %dma_wait3A_49 : memref<1x128xi32, #tpu.memory_space<vmem>> -> memref<128xi32, #tpu.memory_space<vmem>>
    %dma_wait3A_51 = arith.constant 0 : i32
    %dma_wait3A_52 = arith.constant 0 : i32
    %dma_wait3A_53 = tpu.memref_slice %arg3[%dma_wait3A_51, %dma_wait3A_52] : memref<100000x128xf32, #tpu.memory_space<hbm>> -> memref<100000x128xf32, #tpu.memory_space<hbm>>
    tpu.wait_indirect_dma semaphore(%arg17 : memref<!tpu.dma_semaphore, #tpu.memory_space<semaphore_mem>>) src(%dma_wait3A_53 : memref<100000x128xf32, #tpu.memory_space<hbm>>) dst(%arg13 : memref<128x128xf32, #tpu.memory_space<vmem>>)
    %mul3A_54 = arith.constant 128 : i32
    %mul3A_55 = arith.muli %add3A, %mul3A_54 : i32
    "tpu.region"() ({
      %run_scoped3A = tpu.sem_alloc : memref<!tpu.dma_semaphore, #tpu.memory_space<semaphore_mem>>
      %dma_start3A_56 = arith.constant 0 : i32
      %dma_start3A_57 = arith.constant 0 : i32
      %dma_start3A_58 = tpu.memref_slice %arg13[%dma_start3A_56, %dma_start3A_57] : memref<128x128xf32, #tpu.memory_space<vmem>> -> memref<128x64xf32, #tpu.memory_space<vmem>>
      %dma_start3A_59 = arith.constant 64 : i32
      %dma_start3A_60 = tpu.memref_slice %arg9[%mul3A_55, %dma_start3A_59] : memref<4096x128xf32, #tpu.memory_space<hbm>> -> memref<128x64xf32, #tpu.memory_space<hbm>>
      %dma_start3A_61 = arith.constant 64 : i32
      %dma_start3A_62 = tpu.memref_slice %arg9[%mul3A_55, %dma_start3A_61] : memref<4096x128xf32, #tpu.memory_space<hbm>> -> memref<128x64xf32, #tpu.memory_space<hbm>>
      %dma_start3A_63 = arith.constant 0 : i32
      %dma_start3A_64 = arith.constant 0 : i32
      %dma_start3A_65 = tpu.memref_slice %arg13[%dma_start3A_63, %dma_start3A_64] : memref<128x128xf32, #tpu.memory_space<vmem>> -> memref<128x64xf32, #tpu.memory_space<vmem>>
      tpu.enqueue_dma source(%dma_start3A_65 : memref<128x64xf32, #tpu.memory_space<vmem>>) target(%dma_start3A_62 : memref<128x64xf32, #tpu.memory_space<hbm>>) target_semaphore(%run_scoped3A : memref<!tpu.dma_semaphore, #tpu.memory_space<semaphore_mem>>)
      %dma_wait3A_66 = arith.constant 0 : i32
      %dma_wait3A_67 = arith.constant 0 : i32
      %dma_wait3A_68 = tpu.memref_slice %arg13[%dma_wait3A_66, %dma_wait3A_67] : memref<128x128xf32, #tpu.memory_space<vmem>> -> memref<128x64xf32, #tpu.memory_space<vmem>>
      %dma_wait3A_69 = arith.constant 64 : i32
      %dma_wait3A_70 = tpu.memref_slice %arg9[%mul3A_55, %dma_wait3A_69] : memref<4096x128xf32, #tpu.memory_space<hbm>> -> memref<128x64xf32, #tpu.memory_space<hbm>>
      %dma_wait3A_71 = arith.constant 64 : i32
      %dma_wait3A_72 = tpu.memref_slice %arg9[%mul3A_55, %dma_wait3A_71] : memref<4096x128xf32, #tpu.memory_space<hbm>> -> memref<128x64xf32, #tpu.memory_space<hbm>>
      %dma_wait3A_73 = arith.constant 0 : i32
      %dma_wait3A_74 = arith.constant 0 : i32
      %dma_wait3A_75 = tpu.memref_slice %arg13[%dma_wait3A_73, %dma_wait3A_74] : memref<128x128xf32, #tpu.memory_space<vmem>> -> memref<128x64xf32, #tpu.memory_space<vmem>>
      tpu.wait_dma2 semaphore(%run_scoped3A : memref<!tpu.dma_semaphore, #tpu.memory_space<semaphore_mem>>) src(%dma_wait3A_75 : memref<128x64xf32, #tpu.memory_space<vmem>>) dst(%dma_wait3A_72 : memref<128x64xf32, #tpu.memory_space<hbm>>)
      tpu.yield
    }) : () -> ()
    return
  }
}

module attributes {stable_mosaic.version = 14 : i64} {
  func.func @_tgt_body(%arg0: i32, %arg1: memref<1024x128xf32, #tpu.memory_space<vmem>>, %arg2: memref<128x256xf32, #tpu.memory_space<vmem>>, %arg3: memref<1x256xf32, #tpu.memory_space<vmem>>, %arg4: memref<256x128xf32, #tpu.memory_space<vmem>>, %arg5: memref<1x128xf32, #tpu.memory_space<vmem>>, %arg6: memref<1024x128xf32, #tpu.memory_space<vmem>>) attributes {dimension_semantics = [#tpu.dimension_semantics<parallel>], iteration_bounds = array<i64: 4>, scalar_prefetch = 0 : i64, scratch_operands = 0 : i64, tpu.core_type = #tpu.core_type<tc>, window_params = [{transform_indices = @transform_0, window_bounds = array<i64: 1024, 128>}, {pipeline_mode = #tpu.pipeline_mode<synchronous>, transform_indices = @transform_1, window_bounds = array<i64: 128, 256>}, {pipeline_mode = #tpu.pipeline_mode<synchronous>, transform_indices = @transform_2, window_bounds = array<i64: 1, 256>}, {pipeline_mode = #tpu.pipeline_mode<synchronous>, transform_indices = @transform_3, window_bounds = array<i64: 256, 128>}, {pipeline_mode = #tpu.pipeline_mode<synchronous>, transform_indices = @transform_4, window_bounds = array<i64: 1, 128>}, {transform_indices = @transform_5, window_bounds = array<i64: 1024, 128>}]} {
    %get3A = arith.constant 0 : index
    %get3A_0 = arith.constant 0 : index
    %get3A_1 = vector.load %arg1[%get3A, %get3A_0] : memref<1024x128xf32, #tpu.memory_space<vmem>>, vector<1024x128xf32>
    %get3A_2 = arith.constant 0 : index
    %get3A_3 = arith.constant 0 : index
    %get3A_4 = vector.load %arg2[%get3A_2, %get3A_3] : memref<128x256xf32, #tpu.memory_space<vmem>>, vector<128x256xf32>
    %dot_general3A = arith.constant dense<0.000000e+00> : vector<1024x256xf32>
    %dot_general3A_5 = tpu.matmul %get3A_1, %get3A_4, %dot_general3A {dimension_numbers = #tpu.dot_dimension_numbers<[1], [0], [0], [1], [0, 0, 1, 1], [], []>, transpose_lhs_hint = false} : vector<1024x128xf32>, vector<128x256xf32>, vector<1024x256xf32> -> vector<1024x256xf32>
    %get3A_6 = arith.constant 0 : index
    %get3A_7 = arith.constant 0 : index
    %get3A_8 = vector.load %arg3[%get3A_6, %get3A_7] : memref<1x256xf32, #tpu.memory_space<vmem>>, vector<1x256xf32>
    %add3A = vector.broadcast %get3A_8 : vector<1x256xf32> to vector<1024x256xf32>
    %add3A_9 = arith.addf %dot_general3A_5, %add3A : vector<1024x256xf32>
    %max3A = arith.constant 0.000000e+00 : f32
    %max3A_10 = vector.broadcast %max3A : f32 to vector<1024x256xf32>
    %max3A_11 = arith.maximumf %add3A_9, %max3A_10 : vector<1024x256xf32>
    %get3A_12 = arith.constant 0 : index
    %get3A_13 = arith.constant 0 : index
    %get3A_14 = vector.load %arg4[%get3A_12, %get3A_13] : memref<256x128xf32, #tpu.memory_space<vmem>>, vector<256x128xf32>
    %dot_general3A_15 = arith.constant dense<0.000000e+00> : vector<1024x128xf32>
    %dot_general3A_16 = tpu.matmul %max3A_11, %get3A_14, %dot_general3A_15 {dimension_numbers = #tpu.dot_dimension_numbers<[1], [0], [0], [1], [0, 0, 1, 1], [], []>, transpose_lhs_hint = false} : vector<1024x256xf32>, vector<256x128xf32>, vector<1024x128xf32> -> vector<1024x128xf32>
    %get3A_17 = arith.constant 0 : index
    %get3A_18 = arith.constant 0 : index
    %get3A_19 = vector.load %arg5[%get3A_17, %get3A_18] : memref<1x128xf32, #tpu.memory_space<vmem>>, vector<1x128xf32>
    %add3A_20 = vector.broadcast %get3A_19 : vector<1x128xf32> to vector<1024x128xf32>
    %add3A_21 = arith.addf %dot_general3A_16, %add3A_20 : vector<1024x128xf32>
    %swap3A = arith.constant 0 : index
    %swap3A_22 = arith.constant 0 : index
    %swap3A_23 = vector.load %arg6[%swap3A, %swap3A_22] : memref<1024x128xf32, #tpu.memory_space<vmem>>, vector<1024x128xf32>
    tpu.vector_store %arg6[%swap3A, %swap3A_22], %add3A_21 {strides = array<i32>} : memref<1024x128xf32, #tpu.memory_space<vmem>>, vector<1024x128xf32>,
    return
  }
  func.func @transform_0(%arg0: i32) -> (i32, i32) {
    %c0_i32 = arith.constant 0 : i32
    %c0_i32_0 = arith.constant 0 : i32
    return %arg0, %c0_i32 : i32, i32
  }
  func.func @transform_1(%arg0: i32) -> (i32, i32) {
    %c0_i32 = arith.constant 0 : i32
    %c0_i32_0 = arith.constant 0 : i32
    %c0_i32_1 = arith.constant 0 : i32
    return %c0_i32, %c0_i32_0 : i32, i32
  }
  func.func @transform_2(%arg0: i32) -> (i32, i32) {
    %c0_i32 = arith.constant 0 : i32
    %c0_i32_0 = arith.constant 0 : i32
    %c0_i32_1 = arith.constant 0 : i32
    return %c0_i32, %c0_i32_0 : i32, i32
  }
  func.func @transform_3(%arg0: i32) -> (i32, i32) {
    %c0_i32 = arith.constant 0 : i32
    %c0_i32_0 = arith.constant 0 : i32
    %c0_i32_1 = arith.constant 0 : i32
    return %c0_i32, %c0_i32_0 : i32, i32
  }
  func.func @transform_4(%arg0: i32) -> (i32, i32) {
    %c0_i32 = arith.constant 0 : i32
    %c0_i32_0 = arith.constant 0 : i32
    %c0_i32_1 = arith.constant 0 : i32
    return %c0_i32, %c0_i32_0 : i32, i32
  }
  func.func @transform_5(%arg0: i32) -> (i32, i32) {
    %c0_i32 = arith.constant 0 : i32
    %c0_i32_0 = arith.constant 0 : i32
    return %arg0, %c0_i32 : i32, i32
  }
}

module attributes {stable_mosaic.version = 14 : i64} {
  func.func @_seq_body(%arg0: i32, %arg1: memref<3200x128xf32, #tpu.memory_space<vmem>>, %arg2: memref<128x128xf32, #tpu.memory_space<vmem>>, %arg3: memref<3200x128xf32, #tpu.memory_space<vmem>>, %arg4: memref<3200x128xf32, #tpu.memory_space<vmem>>) attributes {dimension_semantics = [#tpu.dimension_semantics<parallel>], iteration_bounds = array<i64: 256>, scalar_prefetch = 0 : i64, scratch_operands = 0 : i64, tpu.core_type = #tpu.core_type<tc>, window_params = [{transform_indices = @transform_0, window_bounds = array<i64: 3200, 128>}, {pipeline_mode = #tpu.pipeline_mode<synchronous>, transform_indices = @transform_1, window_bounds = array<i64: 128, 128>}, {pipeline_mode = #tpu.pipeline_mode<synchronous>, transform_indices = @transform_2, window_bounds = array<i64: 3200, 128>}, {transform_indices = @transform_3, window_bounds = array<i64: 3200, 128>}]} {
    %get3A = arith.constant 0 : index
    %get3A_0 = arith.constant 0 : index
    %get3A_1 = vector.load %arg1[%get3A, %get3A_0] : memref<3200x128xf32, #tpu.memory_space<vmem>>, vector<3200x128xf32>
    %get3A_2 = arith.constant 0 : index
    %get3A_3 = arith.constant 0 : index
    %get3A_4 = vector.load %arg2[%get3A_2, %get3A_3] : memref<128x128xf32, #tpu.memory_space<vmem>>, vector<128x128xf32>
    %dot_general3A = arith.constant dense<0.000000e+00> : vector<3200x128xf32>
    %dot_general3A_5 = tpu.matmul %get3A_1, %get3A_4, %dot_general3A {dimension_numbers = #tpu.dot_dimension_numbers<[1], [0], [0], [1], [0, 0, 1, 1], [], []>, transpose_lhs_hint = false} : vector<3200x128xf32>, vector<128x128xf32>, vector<3200x128xf32> -> vector<3200x128xf32>
    %get3A_6 = arith.constant 0 : index
    %get3A_7 = arith.constant 0 : index
    %get3A_8 = vector.load %arg3[%get3A_6, %get3A_7] : memref<3200x128xf32, #tpu.memory_space<vmem>>, vector<3200x128xf32>
    %add3A = arith.addf %dot_general3A_5, %get3A_8 : vector<3200x128xf32>
    %swap3A = arith.constant 0 : index
    %swap3A_9 = arith.constant 0 : index
    %swap3A_10 = vector.load %arg4[%swap3A, %swap3A_9] : memref<3200x128xf32, #tpu.memory_space<vmem>>, vector<3200x128xf32>
    tpu.vector_store %arg4[%swap3A, %swap3A_9], %add3A {strides = array<i32>} : memref<3200x128xf32, #tpu.memory_space<vmem>>, vector<3200x128xf32>,
    return
  }
  func.func @transform_0(%arg0: i32) -> (i32, i32) {
    %c0_i32 = arith.constant 0 : i32
    %c0_i32_0 = arith.constant 0 : i32
    return %arg0, %c0_i32 : i32, i32
  }
  func.func @transform_1(%arg0: i32) -> (i32, i32) {
    %c0_i32 = arith.constant 0 : i32
    %c0_i32_0 = arith.constant 0 : i32
    %c0_i32_1 = arith.constant 0 : i32
    return %c0_i32, %c0_i32_0 : i32, i32
  }
  func.func @transform_2(%arg0: i32) -> (i32, i32) {
    %c0_i32 = arith.constant 0 : i32
    %c0_i32_0 = arith.constant 0 : i32
    %c0_i32_1 = arith.constant 0 : i32
    return %c0_i32, %c0_i32_0 : i32, i32
  }
  func.func @transform_3(%arg0: i32) -> (i32, i32) {
    %c0_i32 = arith.constant 0 : i32
    %c0_i32_0 = arith.constant 0 : i32
    return %arg0, %c0_i32 : i32, i32
  }
}

</mosaic_0001>

<sc_bundles>
// kernel: kernel.5.cloned.1.call-start
scs
__scs_entry_jumppad:
0x0: {  	(pc) =	sbr.rel $0x88, $3  }
0x1: {  	(tag) =	ssettag $0x0;
	lr =	simm.s32 $0x1  }
0x2: {  	[smem:$0x3F93] =	sst lr;
	_ =	strace $0xD0000000  }
0x3: {  	_ = 	snop  }
0x4: {  	_ = 	snop  }
0x5: {  	_ = 	snop  }
0x6: {  	_ = 	snop  }
0x7: {  	_ = 	snop  }
__scs_overlays_trampoline_lowered:
0x8: {  	[smem:$0x3FA2] =	sst s0  }
0x9: {  	[smem:$0x3FA3] =	sst s1  }
0xa: {  	[smem:$0x3FA4] =	sst s2  }
0xb: {  	[smem:$0x3FA5] =	sst s3  }
0xc: {  	[smem:$0x3FA6] =	sst s4  }
0xd: {  	[smem:$0x3FA7] =	sst s5  }
0xe: {  	[smem:$0x3FA8] =	sst s6  }
0xf: {  	[smem:$0x3FA9] =	sst s7  }
0x10: {  	[smem:$0x3FAA] =	sst s8  }
0x11: {  	[smem:$0x3FAB] =	sst s9;
	s0 =	simm.s32 @!p0 $0x0  }
0x12: {  	s1 =	sld [smem:$0x3F91];
	s0 =	simm.s32 @p0 $0x1  }
0x13: {  	[smem:$0x3FAC] =	sst s0;
	s0 =	simm.s32 @!p1 $0x0  }
0x14: {  	s2 =	sld [smem:$0x3F90];
	s0 =	simm.s32 @p1 $0x1  }
0x15: {  	[smem:$0x3FAD] =	sst s0;
	s0 =	simm.s32 @!p2 $0x0  }
0x16: {  	s3 =	sld [smem:$0x3FDB];
	s0 =	simm.s32 @p2 $0x1  }
0x17: {  	s4 =	simm.s32 $0x1BF5;
	[smem:$0x3FAF] =	sst s0  }
0x18: {  	s0 =	sld [smem:$0x3F92];
	_ =	swait.ge [sflag:s4], $0x0  }
0x19: {  	s7 =	sld [smem:$0x3F93]  }
0x1a: {  	s8 =	sadd.s32 $0xFFFFE003, lr  }
0x1b: {  	s9 =	sadd.s32 $0xFFFFFEF7, lr;
	s5 =	simm.s32 $0xFFFFFFFF;
	p2 =	slt.u32 s8, $0xFFFFF086  }
0x1c: {  	p1 =	slt.u32 s9, $0xF7A;
	s5 =	simm.s32 @!p2 $0x0  }
0x1d: {  	s5 =	simm.s32 @p1 $0x1;
	p0 =	seq.s32 s7, s2  }
0x1e: {  	s7 =	smul.u32 @!p0 $0xF7A, s2;
	p2 =	seq.s32 @!p0 s5, $0x0  }
0x1f: {  	s9 =	smul.u32 $0xF7A, s1;
	s8 =	simm.s32 @!p0 $0x1BF5;
	p2 =	por !p2, p0  }
0x20: {  	[sflag:s8] =	ssyncset.s32 @!p0 $0xFFFFF086;
	s6 =	sadd.s32 @!p0 s3, s7;
	s7 =	simm.s32 @!p0 $0x108  }
0x21: {  	s3 =	sadd.s32 s3, s9;
	s6 =	sadd.s32 @!p0 $0x88, s6;
	s7 =	simm.s32 @p2 $0x1082  }
0x22: {  	[simem:s7], [sflag:s8] =	dma.local @!p0 [hbm:s6], $0xF7A  }
0x23: {  	s9 =	sor.u32 $0xD0000000, s2;
	s6 =	simm.s32 $0x108;
	_ =	swait.ge @!p0 [sflag:s8], $0x0  }
0x24: {  	s3 =	sadd.s32 $0x88, s3;
	s6 =	simm.s32 @!p1 $0x1082;
	[sflag:s4] =	ssyncset.s32 $0xFFFFF086  }
0x25: {  	[simem:s6], [sflag:s4] =	dma.local [hbm:s3], $0xF7A  }
0x26: {  	[smem:$0x3F93] =	sst s1;
	(tag) =	ssettag s2;
	_ =	strace s9  }
0x27: {  	s1 =	sld [smem:$0x3FA3]  }
0x28: {  	s2 =	sld [smem:$0x3FA4]  }
0x29: {  	s4 =	sld [smem:$0x3FA6]  }
0x2a: {  	p0 =	seq.s32 s5, $0x0;
	s5 =	sld [smem:$0x3FA7]  }
0x2b: {  	s6 =	sld [smem:$0x3FA8]  }
0x2c: {  	s7 =	sld [smem:$0x3FA9]  }
0x2d: {  	s3 =	simm.s32 $0x108;
	s8 =	sld [smem:$0x3FAA]  }
0x2e: {  	s3 =	simm.s32 @!p0 $0x1082;
	s9 =	sld [smem:$0x3FAB]  }
0x2f: {  	lr =	sadd.s32 s0, s3;
	s0 =	sld [smem:$0x3FA2]  }
0x30: {  	s3 =	sld [smem:$0x3FA5]  }
0x31: {  	[smem:$0x3FAE] =	sst s10  }
0x32: {  	s10 =	sld [smem:$0x3FAC];
	_ =	sdelay $0x3  }
0x33: {  	p0 =	seq.s32 s10, $0x1;
	s10 =	sld [smem:$0x3FAE];
	_ =	sdelay $0x3  }
0x34: {  	[smem:$0x3FAE] =	sst s10  }
0x35: {  	s10 =	sld [smem:$0x3FAD];
	_ =	sdelay $0x3  }
0x36: {  	p1 =	seq.s32 s10, $0x1;
	s10 =	sld [smem:$0x3FAE];
	_ =	sdelay $0x3  }
0x37: {  	[smem:$0x3FAE] =	sst s10  }
0x38: {  	s10 =	sld [smem:$0x3FAF]  }
0x39: {  	_ = 	snop;
	(pc) =	sbr.ind lr, $3  }
0x3a: {  	_ = 	snop  }
0x3b: {  	_ = 	snop  }
0x3c: {  	p2 =	seq.s32 s10, $0x1;
	s10 =	sld [smem:$0x3FAE]  }
0x3d: {  	_ =	shalt  }
0x3e: {  	_ =	shalt  }
0x3f: {  	_ =	shalt  }
0x40: {  	_ =	shalt  }
0x41: {  	_ =	shalt  }
0x42: {  	_ =	shalt  }
0x43: {  	_ =	shalt  }
0x44: {  	_ =	shalt  }
0x45: {  	_ =	shalt  }
0x46: {  	_ =	shalt  }
0x47: {  	_ =	shalt  }
0x48: {  	_ =	shalt  }
0x49: {  	_ =	shalt  }
0x4a: {  	_ =	shalt  }
0x4b: {  	_ =	shalt  }
0x4c: {  	_ =	shalt  }
0x4d: {  	_ =	shalt  }
0x4e: {  	_ =	shalt  }
0x4f: {  	_ =	shalt  }
0x50: {  	_ =	shalt  }
0x51: {  	_ =	shalt  }
0x52: {  	_ =	shalt  }
0x53: {  	_ =	shalt  }
0x54: {  	_ =	shalt  }
0x55: {  	_ =	shalt  }
0x56: {  	_ =	shalt  }
0x57: {  	_ =	shalt  }
0x58: {  	_ =	shalt  }
0x59: {  	_ =	shalt  }
0x5a: {  	_ =	shalt  }
0x5b: {  	_ =	shalt  }
0x5c: {  	_ =	shalt  }
0x5d: {  	_ =	shalt  }
0x5e: {  	_ =	shalt  }
0x5f: {  	_ =	shalt  }
0x60: {  	_ =	shalt  }
0x61: {  	_ =	shalt  }
0x62: {  	_ =	shalt  }
0x63: {  	_ =	shalt  }
0x64: {  	_ =	shalt  }
0x65: {  	_ =	shalt  }
0x66: {  	_ =	shalt  }
0x67: {  	_ =	shalt  }
0x68: {  	_ =	shalt  }
0x69: {  	_ =	shalt  }
0x6a: {  	_ =	shalt  }
0x6b: {  	_ =	shalt  }
0x6c: {  	_ =	shalt  }
0x6d: {  	_ =	shalt  }
0x6e: {  	_ =	shalt  }
0x6f: {  	_ =	shalt  }
0x70: {  	_ =	shalt  }
0x71: {  	_ =	shalt  }
0x72: {  	_ =	shalt  }
0x73: {  	_ =	shalt  }
0x74: {  	_ =	shalt  }
0x75: {  	_ =	shalt  }
0x76: {  	_ =	shalt  }
0x77: {  	_ =	shalt  }
0x78: {  	_ =	shalt  }
0x79: {  	_ =	shalt  }
0x7a: {  	_ =	shalt  }
0x7b: {  	_ =	shalt  }
0x7c: {  	_ =	shalt  }
0x7d: {  	_ =	shalt  }
0x7e: {  	_ =	shalt  }
0x7f: {  	_ =	shalt  }
0x80: {  	_ =	shalt  }
0x81: {  	_ =	shalt  }
0x82: {  	_ =	shalt  }
0x83: {  	_ =	shalt  }
0x84: {  	_ =	shalt  }
0x85: {  	_ =	shalt  }
0x86: {  	_ =	shalt  }
0x87: {  	_ =	shalt  }
.Lfunc_end0:
.L_simem_size_0:
called_computation.2_lowered:
.L_overlay_start_0:
0x88: {  	s2 =	sld [smem:$0x3FD9]  }
0x89: {  	s3 =	sld [smem:$0x3FFE];
	_ =	sdelay $0x1  }
0x8a: {  	s1 =	srdreg.scid  }
0x8b: {  	s0 =	sand.u32 $0x1, s1  }
0x8c: {  	s14 =	sshll.u32 s0, $0xA;
	s2 =	sadd.s32 s3, s2  }
0x8d: {  	s2 =	sadd.s32 s2, s14  }
0x8e: {  	[smem:$0x3FBA] =	sst s2  }
0x8f: {  	_ = 	snop  }
0x90: {  	s2 =	sld [smem:$0x3FD0];
	_ =	sdelay $0x1  }
0x91: {  	s15 =	sld [smem:$0x3FC9]  }
0x92: {  	s5 =	simm.s32 $0xB;
	s6 =	simm.s32 $0x10;
	s4 =	sld [smem:$0x3FC8]  }
0x93: {  	[smem:s6], [sflag:s5] =	dma.local [hbm:s2], $0x1  }
0x94: {  	_ =	swait.eq [sflag:s5], $0x1  }
0x95: {  	[sflag:s5] =	ssyncset.done $0x0  }
0x96: {  	[sflag:s5] =	ssyncadd.s32 $0xFFFFFFFF  }
0x97: {  	s16 =	sld [smem:$0x10];
	(tm) =	ssettm $0x1  }
0x98: {  	s17 =	sld [smem:$0x3FFB];
	_ =	sdelay $0x3  }
0x99: {  	_ =	strace s17  }
0x9a: {  	s5 =	sld [smem:$0x3FFC];
	_ =	sdelay $0x3  }
0x9b: {  	_ =	strace s5  }
0x9c: {  	s5 =	sld [smem:$0x3FFD];
	_ =	sdelay $0x3  }
0x9d: {  	_ =	strace s5  }
0x9e: {  	_ =	strace $0x8FFFFFFF  }
0x9f: {  	s18 =	sld [smem:$0x3FDB];
	_ =	sdelay $0x1  }
0xa0: {  	s19 =	simm.s32 $_scs_section_size  }
0xa1: {  	s7 =	simm.s32 $_size__tile_overlayer_lowered;
	s8 =	simm.s32 $_tile_overlayer_lowered  }
0xa2: {  	s22 =	simm.s32 $0x1BFF;
	s21 =	sshll.u32 s8, $0x1;
	s5 =	sadd.s32 s19, s18  }
0xa3: {  	s9 =	simm.s32 $0x0;
	s20 =	sshll.u32 s7, $0x1;
	s7 =	sadd.s32 s21, s5  }
0xa4: {  	[timem:s9], [sflag:s22] =	dma.local [hbm:s7], s20  }
0xa5: {  	_ =	swait.ge [sflag:s22], s20  }
0xa6: {  	s6 =	ssub.s32 $0x0, s20;
	[sflag:s22] =	ssyncset.done $0x0  }
0xa7: {  	[sflag:s22] =	ssyncadd.s32 s6;
	_ =	sdelay $0x1  }
0xa8: {  	s23 =	simm.s32 $0x1B8B  }
0xa9: {  	_ =	swait.ge [sflag:s23], $0x1  }
0xaa: {  	[sflag:s23] =	ssyncset.done $0x0  }
0xab: {  	s25 =	simm.s32 $0x1B8E;
	s24 =	sld [smem:$0x3FFE];
	[sflag:s23] =	ssyncadd.s32 $0xFFFFFFFF  }
0xac: {  	s26 =	simm.s32 $execute0_lowered;
	[smem:$0x3FD2] =	sst s25  }
0xad: {  	s7 =	sshll.u32 s26, $0x1;
	_ =	strace $0x8000004C;
	[dreg:$0x1] =	wrdreg $0xFFFFFFFF  }
0xae: {  	s28 =	simm.s32 $_size_execute0_lowered;
	s5 =	sadd.s32 s5, s7;
	[dreg:$0x0] =	wrdreg $0x0  }
0xaf: {  	s7 =	sshll.u32 s28, $0x1;
	[dreg:$0x2] =	wrdreg s5  }
0xb0: {  	[dreg:$0x3] =	wrdreg s7  }
0xb1: {  	[dreg:$0x4] =	wrdreg $0xC0  }
0xb2: {  	_ =	task [dreg:s9], $0x5FFFF  }
0xb3: {  	[dreg:$0x1] =	wrdreg $0xFFFFFFFF  }
0xb4: {  	[dreg:$0x0] =	wrdreg $0x60  }
0xb5: {  	[dreg:$0x2] =	wrdreg s24  }
0xb6: {  	[dreg:$0x3] =	wrdreg s15  }
0xb7: {  	[dreg:$0x4] =	wrdreg s4  }
0xb8: {  	[dreg:$0x5] =	wrdreg s16  }
0xb9: {  	[dreg:$0x6] =	wrdreg $0x9  }
0xba: {  	_ =	task.clear_ibuf [dreg:s9], $0x7FFFF;
	_ =	strace $0x9000004C  }
0xbb: {  	s29 =	simm.s32 $0x9;
	_ =	strace $0x8000004E  }
0xbc: {  	_ =	swait.ge [sflag:s29], $0x1  }
0xbd: {  	[sflag:s29] =	ssyncadd.s32 $0xFFFFFFFF  }
0xbe: {  	_ =	strace $0x9000004E  }
0xbf: {  	_ =	sfence  }
0xc0: {  	s30 =	sld [smem:$0x0];
	_ =	sdelay $0x2  }
0xc1: {  	s31 =	sshll.u32 s1, $0xD;
	s1 =	sshrl.u32 s1, $0x2  }
0xc2: {  	s3 =	sand.u32 $0x4000, s31;
	s1 =	sadd.s32 s1, s30  }
0xc3: {  	s0 =	sor.u32 s3, s0;
	s1 =	sshll.u32 s1, $0x11  }
0xc4: {  	s0 =	sor.u32 s1, s0  }
0xc5: {  	s0 =	sadd.s32 $0x8F2B, s0  }
0xc6: {  	[sflag:s0] =	ssyncadd.remote.s32 $0x1  }
0xc7: {  	_ =	sfence.sel $0xFFFF  }
0xc8: {  	[dreg:$0x0] =	wrdreg $0xFFFFFFFF;
	(pc) =	sbr.abs _section_cstart, $3  }
0xc9: {  	[dreg:$0x1] =	wrdreg $0xFFFFFFFF  }
0xca: {  	_ =	task.clear_ibuf [dreg:s9], $0x2FFFF;
	_ =	strace $0x9FFFFFFF  }
0xcb: {  	(tm) =	ssettm $0x7FFFFFFF  }
tec
execute0_lowered:
.L_overlay_start_1:
0x0: {  	(tag) =	ssettag $0x1  }
0x1: {  	s0 =	rddreg [dreg:$0x0]  }
0x2: {  	s1 =	rddreg [dreg:$0x1]  }
0x3: {  	s6 =	rddreg [dreg:$0x2];
	s2 =	srdreg.scid  }
0x4: {  	s3 =	stileid.u32;
	s7 =	rddreg [dreg:$0x3];
	s16 =	simm.s32 $0x5  }
0x5: {  	s17 =	simm.s32 $0x6400;
	s18 =	simm.s32 $0x80;
	s20 =	simm.s32 $0x10800  }
0x6: {  	s21 =	simm.s32 $0x14800;
	s22 =	simm.s32 $0x18800;
	s23 =	simm.s32 $0x1  }
0x7: {  	s24 =	simm.s32 $0x2;
	s25 =	simm.s32 $0x3;
	s26 =	simm.s32 $0x4  }
0x8: {  	s28 =	simm.s32 $0x0;
	s5 =	sand.u32 $0x1, s2;
	s3 =	sshll.u32 s3, $0x1  }
0x9: {  	s2 =	simm.s32 $0x0;
	s4 =	sadd.s32 $0x203F600, s0;
	s10 =	sor.u32 s5, s3  }
0xa: {  	[smem:$0x7FF] =	sst s2;
	s3 =	sadd.s32 $0x21C6000, s0;
	s9 =	ssub.s32 $0x2, s5  }
0xb: {  	s5 =	sadd.s32 $0x2400, s0;
	s8 =	smul.u32 $0xC80, s10;
	_ =	strace $0x8000004D  }
0xc: {  	s11 =	sshrl.u32 s9, $0x1;
	s13 =	sshll.u32 s10, $0x4;
	s30 =	sshll.u32 s10, $0xB  }
0xd: {  	s11 =	ssub.s32 s9, s11;
	s31 =	sadd.s32 s1, s13;
	s8 =	sadd.s32 s8, s0  }
0xe: {  	s9 =	smul.u32 $0x320000, s10;
	[dreg:$0x7] =	wrdreg s31;
	s12 =	sadd.s32 $0x2026600, s8  }
0xf: {  	s13 =	sadd.s32 s6, s13;
	s8 =	sadd.s32 $0x200D600, s8;
	[dreg:$0x5] =	wrdreg s12  }
0x10: {  	s15 =	smax.u32 s11, $0x1;
	[dreg:$0x6] =	wrdreg s8;
	s12 =	sadd.s32 s7, s30  }
0x11: {  	s8 =	smul.u32 $0x6400, s10;
	s10 =	sadd.s32 $0x2408, s0;
	s14 =	sadd.s32 $0x8, s12  }
.LBB2_1:
0x12: {  	s0 =	rddreg [dreg:$0x5]  }
0x13: {  	[tilespmem:s2], [sflag:$0x5] =	stream.linear.gather [hbm4b:s0+s2], $0x6400, $0x38;
	[tilespmem:$0x1C800] =	vst v63  }
0x14: {  	_ =	swait.ge [sflag:s16], $0x6400  }
0x15: {  	[sflag:s16] =	ssyncset.done $0x0  }
0x16: {  	s30 =	rddreg [dreg:$0x6];
	[sflag:s16] =	ssyncadd.s32 $0xFFFF9C00  }
0x17: {  	[tilespmem:s17], [sflag:$0x5] =	stream.linear.gather [hbm4b:s30+s2], $0x6400, $0x38;
	[tilespmem:$0x1C800] =	vst v63  }
0x18: {  	_ =	swait.ge [sflag:s16], $0x6400  }
0x19: {  	[sflag:s16] =	ssyncset.done $0x0  }
0x1a: {  	s31 =	simm.s32 $0xC800;
	[sflag:s16] =	ssyncadd.s32 $0xFFFF9C00  }
0x1b: {  	[tilespmem:s31], [sflag:$0x1] =	stream.indirect.gather [hbm4b:s3+s18], $0x80, s2, s18, $0xb8;
	[tilespmem:$0x1C800] =	vst v63  }
0x1c: {  	s29 =	simm.s32 $0x0  }
0x1d: {  	[tilespmem:s20], [sflag:$0x2] =	stream.indirect.gather [hbm4b:s4+s18], $0x80, s17, s18, $0xb8;
	[tilespmem:$0x1C800] =	vst v63  }
.LBB2_2:
0x1e: {  	s31 =	sshll.u32 s29, $0x8  }
0x1f: {  	s30 =	sor.u32 $0x80, s31  }
0x20: {  	[tilespmem:s21], [sflag:$0x3] =	stream.indirect.gather [hbm4b:s3+s18], $0x80, s30, s18, $0xb8;
	[tilespmem:$0x1C800] =	vst v63  }
0x21: {  	s19 =	sshll.u32 s29, $0xF;
	s0 =	sadd.s32 $0x6480, s31  }
0x22: {  	[tilespmem:s22], [sflag:$0x4] =	stream.indirect.gather [hbm4b:s4+s18], $0x80, s0, s18, $0xb8;
	[tilespmem:$0x1C800] =	vst v63  }
0x23: {  	s0 =	sadd.s32 s9, s19  }
0x24: {  	s6 =	simm.s32 $0x10;
	_ =	swait.ge [sflag:s23], $0x4000;
	s1 =	sshrl.u32 s0, $0x3  }
0x25: {  	s7 =	simm.s32 $0xC8C0;
	[sflag:s23] =	ssyncset.done $0x0;
	s0 =	sadd.s32 s5, s1  }
0x26: {  	s19 =	simm.s32 $0xC840;
	[sflag:s23] =	ssyncadd.s32 $0xFFFFC000;
	s11 =	sadd.s32 $0x0, s0  }
.LBB2_3:
0x27: {  	[hbm4b:s11+s2] =	stream.linear.scatter [tilespmem:s19], [sflag:$0x5], $0x40, $0x38;
	[tilespmem:$0x1C800] =	vst v63  }
0x28: {  	s11 =	smov.u32 s6;
	s19 =	smov.u32 s7;
	p0 =	sne.s32 s6, $0x7F0  }
.Ltmp0:
0x29: {  	s6 =	sadd.s32 $0x10, s6;
	(pc) =	sbr.rel @p0 .LBB2_3-.Ltmp0, $2  }
0x2a: {  	_ =	sdelay $0x2  }
0x2b: {  	s7 =	sadd.s32 $0x80, s7;
	s11 =	sadd.s32 s11, s0  }
0x2c: {  	[hbm4b:s11+s2] =	stream.linear.scatter [tilespmem:s19], [sflag:$0x5], $0x40, $0x38;
	[tilespmem:$0x1C800] =	vst v63  }
0x2d: {  	_ =	swait.ge [sflag:s16], $0x2000  }
0x2e: {  	[sflag:s16] =	ssyncset.done $0x0  }
0x2f: {  	[sflag:s16] =	ssyncadd.s32 $0xFFFFE000  }
0x30: {  	s0 =	sadd.s32 s1, s10;
	_ =	swait.ge [sflag:s24], $0x4000  }
0x31: {  	s1 =	simm.s32 $0x10840;
	s6 =	simm.s32 $0x10;
	[sflag:s24] =	ssyncset.done $0x0  }
0x32: {  	s7 =	simm.s32 $0x108C0;
	s11 =	sadd.s32 $0x0, s0;
	[sflag:s24] =	ssyncadd.s32 $0xFFFFC000  }
.LBB2_5:
0x33: {  	[hbm4b:s11+s2] =	stream.linear.scatter [tilespmem:s1], [sflag:$0x5], $0x40, $0x38;
	[tilespmem:$0x1C800] =	vst v63  }
0x34: {  	s11 =	smov.u32 s6;
	s1 =	smov.u32 s7;
	p0 =	sne.s32 s6, $0x7F0  }
.Ltmp1:
0x35: {  	s6 =	sadd.s32 $0x10, s6;
	(pc) =	sbr.rel @p0 .LBB2_5-.Ltmp1, $2  }
0x36: {  	_ =	sdelay $0x2  }
0x37: {  	s7 =	sadd.s32 $0x80, s7;
	s11 =	sadd.s32 s11, s0  }
0x38: {  	[hbm4b:s11+s2] =	stream.linear.scatter [tilespmem:s1], [sflag:$0x5], $0x40, $0x38;
	[tilespmem:$0x1C800] =	vst v63  }
0x39: {  	p0 =	seq.s32 s29, $0x63;
	_ =	swait.ge [sflag:s16], $0x2000  }
0x3a: {  	s0 =	sadd.s32 @!p0 $0x100, s31;
	[sflag:s16] =	ssyncset.done $0x0  }
0x3b: {  	s1 =	simm.s32 @!p0 $0x80;
	s6 =	simm.s32 @!p0 $0xC800;
	[sflag:s16] =	ssyncadd.s32 $0xFFFFE000  }
0x3c: {  	[tilespmem:s6], [sflag:$0x1] =	stream.indirect.gather @!p0 [hbm4b:s3+s1], $0x80, s0, s1, $0xb8;
	[tilespmem:$0x1C800] =	vst v63  }
0x3d: {  	s0 =	sadd.s32 @!p0 $0x6500, s31;
	s6 =	simm.s32 @!p0 $0x10800;
	s31 =	sadd.s32 s8, s30  }
0x3e: {  	[tilespmem:s6], [sflag:$0x2] =	stream.indirect.gather @!p0 [hbm4b:s4+s1], $0x80, s0, s1, $0xb8;
	[tilespmem:$0x1C800] =	vst v63  }
0x3f: {  	s19 =	simm.s32 $0x14840;
	s1 =	sshll.u32 s31, $0x4;
	_ =	swait.ge [sflag:s25], $0x4000  }
0x40: {  	s7 =	simm.s32 $0x148C0;
	s0 =	sadd.s32 s5, s1;
	[sflag:s25] =	ssyncset.done $0x0  }
0x41: {  	s6 =	simm.s32 $0x10;
	s11 =	sadd.s32 $0x0, s0;
	[sflag:s25] =	ssyncadd.s32 $0xFFFFC000  }
.LBB2_7:
0x42: {  	[hbm4b:s11+s2] =	stream.linear.scatter [tilespmem:s19], [sflag:$0x5], $0x40, $0x38;
	[tilespmem:$0x1C800] =	vst v63  }
0x43: {  	s11 =	smov.u32 s6;
	s19 =	smov.u32 s7;
	p0 =	sne.s32 s6, $0x7F0  }
.Ltmp2:
0x44: {  	s6 =	sadd.s32 $0x10, s6;
	(pc) =	sbr.rel @p0 .LBB2_7-.Ltmp2, $2  }
0x45: {  	_ =	sdelay $0x2  }
0x46: {  	s7 =	sadd.s32 $0x80, s7;
	s11 =	sadd.s32 s11, s0  }
0x47: {  	[hbm4b:s11+s2] =	stream.linear.scatter [tilespmem:s19], [sflag:$0x5], $0x40, $0x38;
	[tilespmem:$0x1C800] =	vst v63  }
0x48: {  	_ =	swait.ge [sflag:s16], $0x2000  }
0x49: {  	[sflag:s16] =	ssyncset.done $0x0  }
0x4a: {  	[sflag:s16] =	ssyncadd.s32 $0xFFFFE000  }
0x4b: {  	s0 =	sadd.s32 s1, s10;
	_ =	swait.ge [sflag:s26], $0x4000  }
0x4c: {  	s1 =	simm.s32 $0x18840;
	s6 =	simm.s32 $0x10;
	[sflag:s26] =	ssyncset.done $0x0  }
0x4d: {  	s7 =	simm.s32 $0x188C0;
	s11 =	sadd.s32 $0x0, s0;
	[sflag:s26] =	ssyncadd.s32 $0xFFFFC000  }
.LBB2_9:
0x4e: {  	[hbm4b:s11+s2] =	stream.linear.scatter [tilespmem:s1], [sflag:$0x5], $0x40, $0x38;
	[tilespmem:$0x1C800] =	vst v63  }
0x4f: {  	s11 =	smov.u32 s6;
	s1 =	smov.u32 s7;
	p0 =	sne.s32 s6, $0x7F0  }
.Ltmp3:
0x50: {  	s6 =	sadd.s32 $0x10, s6;
	(pc) =	sbr.rel @p0 .LBB2_9-.Ltmp3, $2  }
0x51: {  	_ =	sdelay $0x2  }
0x52: {  	s7 =	sadd.s32 $0x80, s7;
	s11 =	sadd.s32 s11, s0  }
0x53: {  	s29 =	sadd.s32 $0x1, s29  }
0x54: {  	p0 =	sne.s32 s29, $0x64  }
.Ltmp4:
0x55: {  	_ = 	snop;
	(pc) =	sbr.rel @p0 .LBB2_2-.Ltmp4, $4  }
0x56: {  	[hbm4b:s11+s2] =	stream.linear.scatter [tilespmem:s1], [sflag:$0x5], $0x40, $0x38;
	[tilespmem:$0x1C800] =	vst v63  }
0x57: {  	_ =	swait.ge [sflag:s16], $0x2000  }
0x58: {  	[sflag:s16] =	ssyncset.done $0x0  }
0x59: {  	[sflag:s16] =	ssyncadd.s32 $0xFFFFE000  }
0x5a: {  	s0 =	simm.s32 $0x0;
	s1 =	rddreg [dreg:$0x7]  }
0x5b: {  	[tilespmem:s0], [sflag:$0x5] =	stream.linear.gather [hbm4b:s1+s0], $0x80, $0x38;
	[tilespmem:$0x1C800] =	vst v63  }
0x5c: {  	_ =	swait.ge [sflag:s16], $0x80  }
0x5d: {  	[sflag:s16] =	ssyncset.done $0x0  }
0x5e: {  	[sflag:s16] =	ssyncadd.s32 $0xFFFFFF80  }
0x5f: {  	[tilespmem:s17], [sflag:$0x5] =	stream.linear.gather [hbm4b:s13+s0], $0x80, $0x38;
	[tilespmem:$0x1C800] =	vst v63  }
0x60: {  	_ =	swait.ge [sflag:s16], $0x80  }
0x61: {  	[sflag:s16] =	ssyncset.done $0x0  }
0x62: {  	s1 =	simm.s32 $0xC800;
	[sflag:s16] =	ssyncadd.s32 $0xFFFFFF80  }
0x63: {  	[tilespmem:s1], [sflag:$0x1] =	stream.indirect.gather [hbm4b:s3+s18], $0x80, s0, s18, $0xb8;
	[tilespmem:$0x1C800] =	vst v63  }
0x64: {  	_ = 	snop  }
0x65: {  	[tilespmem:s20], [sflag:$0x2] =	stream.indirect.gather [hbm4b:s4+s18], $0x80, s17, s18, $0xb8;
	[tilespmem:$0x1C800] =	vst v63  }
0x66: {  	_ =	swait.ge [sflag:s23], $0x4000  }
0x67: {  	s7 =	sadd.s32 $0x0, s12;
	[sflag:s23] =	ssyncset.done $0x0  }
0x68: {  	s6 =	simm.s32 $0xC880;
	s0 =	simm.s32 $0x10;
	[sflag:s23] =	ssyncadd.s32 $0xFFFFC000  }
.LBB2_12:
0x69: {  	[hbm4b:s7+s2] =	stream.linear.scatter [tilespmem:s1], [sflag:$0x5], $0x40, $0x38;
	[tilespmem:$0x1C800] =	vst v63  }
0x6a: {  	s7 =	smov.u32 s0;
	s1 =	smov.u32 s6;
	p0 =	sne.s32 s0, $0x7F0  }
.Ltmp5:
0x6b: {  	s0 =	sadd.s32 $0x10, s0;
	(pc) =	sbr.rel @p0 .LBB2_12-.Ltmp5, $2  }
0x6c: {  	_ =	sdelay $0x2  }
0x6d: {  	s6 =	sadd.s32 $0x80, s6;
	s7 =	sadd.s32 s7, s12  }
0x6e: {  	[hbm4b:s7+s2] =	stream.linear.scatter [tilespmem:s1], [sflag:$0x5], $0x40, $0x38;
	[tilespmem:$0x1C800] =	vst v63  }
0x6f: {  	_ =	swait.ge [sflag:s16], $0x2000  }
0x70: {  	[sflag:s16] =	ssyncset.done $0x0  }
0x71: {  	[sflag:s16] =	ssyncadd.s32 $0xFFFFE000  }
0x72: {  	_ =	swait.ge [sflag:s24], $0x4000  }
0x73: {  	s0 =	simm.s32 $0x10800;
	s1 =	simm.s32 $0x10;
	[sflag:s24] =	ssyncset.done $0x0  }
0x74: {  	s7 =	sadd.s32 $0x0, s14;
	s6 =	simm.s32 $0x10880;
	[sflag:s24] =	ssyncadd.s32 $0xFFFFC000  }
.LBB2_14:
0x75: {  	[hbm4b:s7+s2] =	stream.linear.scatter [tilespmem:s0], [sflag:$0x5], $0x40, $0x38;
	[tilespmem:$0x1C800] =	vst v63  }
0x76: {  	s7 =	smov.u32 s1;
	s0 =	smov.u32 s6;
	p0 =	sne.s32 s1, $0x7F0  }
.Ltmp6:
0x77: {  	s1 =	sadd.s32 $0x10, s1;
	(pc) =	sbr.rel @p0 .LBB2_14-.Ltmp6, $2  }
0x78: {  	_ =	sdelay $0x2  }
0x79: {  	s6 =	sadd.s32 $0x80, s6;
	s7 =	sadd.s32 s7, s14  }
0x7a: {  	s28 =	sadd.s32 $0x1, s28  }
0x7b: {  	p0 =	sne.s32 s28, s15  }
.Ltmp7:
0x7c: {  	_ = 	snop;
	(pc) =	sbr.rel @p0 .LBB2_1-.Ltmp7, $4  }
0x7d: {  	[hbm4b:s7+s2] =	stream.linear.scatter [tilespmem:s0], [sflag:$0x5], $0x40, $0x38;
	[tilespmem:$0x1C800] =	vst v63  }
0x7e: {  	_ =	swait.ge [sflag:s16], $0x2000  }
0x7f: {  	[sflag:s16] =	ssyncset.done $0x0  }
0x80: {  	[sflag:s16] =	ssyncadd.s32 $0xFFFFE000  }
0x81: {  	_ =	sfence.sel $0x180000  }
0x82: {  	[bflag:$0x0] =	sbarrier.arrive $0xFFFF  }
0x83: {  	_ =	strace $0x9000004D  }
0x84: {  	s0 =	stileid.u32;
	[bflag:$0x2] =	sbarrier.arrive $0xFFFF  }
0x85: {  	p0 =	sne.s32 s0, $0x0;
	s0 =	rddreg [dreg:$0x4]  }
0x86: {  	s0 =	sadd.s32 @!p0 $0x100000, s0  }
0x87: {  	[sflag:s0] =	ssyncadd.tile.s32 @!p0 $0x1;
	_ =	shalt  }
.Lfunc_end2:
_tile_overlayer_lowered:
.L_overlay_start_2:
0x88: {  	(tag) =	ssettag $0x2  }
0x89: {  	s0 =	rddreg [dreg:$0x0];
	s2 =	stileid.u32  }
0x8a: {  	s1 =	rddreg [dreg:$0x1];
	p0 =	sne.s32 s2, $0x0  }
0x8b: {  	s3 =	rddreg [dreg:$0x2];
	[bflag:$0x3] =	sbarrier.arrive $0xFFFF;
	s2 =	simm.s32 @!p0 $0x1C05  }
0x8c: {  	[timem:s3], [sflag:s2] =	dma.local @!p0 [hbm:s0], s1  }
0x8d: {  	s0 =	simm.s32 @!p0 $0x5  }
0x8e: {  	_ =	swait.ge @!p0 [sflag:s0], s1  }
0x8f: {  	s1 =	ssub.s32 @!p0 $0x0, s1;
	[sflag:s0] =	ssyncset.done @!p0 $0x0  }
0x90: {  	[sflag:s0] =	ssyncadd.s32 @!p0 s1  }
0x91: {  	[bflag:$0x3] =	sbarrier.arrive $0xFFFF  }
0x92: {  	_ =	shalt  }

// kernel: sparse-core-data-format-call.1.cloned.1.call-start
scs
called_computation.1_lowered:
.L_overlay_start_0:
0x0: {  	s2 =	sld [smem:$0x3FD9]  }
0x1: {  	s3 =	sld [smem:$0x3FFE];
	_ =	sdelay $0x1  }
0x2: {  	s1 =	srdreg.scid  }
0x3: {  	s0 =	sand.u32 $0x1, s1  }
0x4: {  	s18 =	sshll.u32 s0, $0xA;
	s2 =	sadd.s32 s3, s2  }
0x5: {  	s2 =	sadd.s32 s2, s18  }
0x6: {  	[smem:$0x3FBA] =	sst s2  }
0x7: {  	_ = 	snop  }
0x8: {  	s2 =	sld [smem:$0x3FBF];
	(tm) =	ssettm $0x1  }
0x9: {  	s19 =	sld [smem:$0x3FFB];
	_ =	sdelay $0x3  }
0xa: {  	_ =	strace s19  }
0xb: {  	s3 =	sld [smem:$0x3FFC];
	_ =	sdelay $0x3  }
0xc: {  	_ =	strace s3  }
0xd: {  	s3 =	sld [smem:$0x3FFD];
	_ =	sdelay $0x3  }
0xe: {  	_ =	strace s3  }
0xf: {  	_ =	strace $0x8FFFFFFF  }
0x10: {  	s20 =	sld [smem:$0x3FDB];
	_ =	sdelay $0x1  }
0x11: {  	s4 =	simm.s32 $_scs_section_size  }
0x12: {  	s5 =	simm.s32 $_size__tile_overlayer_lowered;
	s6 =	simm.s32 $_tile_overlayer_lowered  }
0x13: {  	s23 =	simm.s32 $0x1BFF;
	s22 =	sshll.u32 s6, $0x1;
	s3 =	sadd.s32 s4, s20  }
0x14: {  	s7 =	simm.s32 $0x0;
	s21 =	sshll.u32 s5, $0x1;
	s5 =	sadd.s32 s22, s3  }
0x15: {  	[timem:s7], [sflag:s23] =	dma.local [hbm:s5], s21  }
0x16: {  	_ =	swait.ge [sflag:s23], s21  }
0x17: {  	s4 =	ssub.s32 $0x0, s21;
	[sflag:s23] =	ssyncset.done $0x0  }
0x18: {  	[sflag:s23] =	ssyncadd.s32 s4;
	_ =	sdelay $0x1  }
0x19: {  	s24 =	simm.s32 $0x1B8B  }
0x1a: {  	_ =	swait.ge [sflag:s24], $0x1  }
0x1b: {  	[sflag:s24] =	ssyncset.done $0x0  }
0x1c: {  	s26 =	simm.s32 $0x1B8E;
	s25 =	sld [smem:$0x3FFE];
	[sflag:s24] =	ssyncadd.s32 $0xFFFFFFFF  }
0x1d: {  	s27 =	simm.s32 $execute0_lowered;
	[smem:$0x3FD2] =	sst s26  }
0x1e: {  	s5 =	sshll.u32 s27, $0x1;
	_ =	strace $0x80000046;
	[dreg:$0x1] =	wrdreg $0xFFFFFFFF  }
0x1f: {  	s28 =	simm.s32 $_size_execute0_lowered;
	s3 =	sadd.s32 s3, s5;
	[dreg:$0x0] =	wrdreg $0x0  }
0x20: {  	s5 =	sshll.u32 s28, $0x1;
	[dreg:$0x2] =	wrdreg s3  }
0x21: {  	[dreg:$0x3] =	wrdreg s5  }
0x22: {  	[dreg:$0x4] =	wrdreg $0xC0  }
0x23: {  	_ =	task [dreg:s7], $0x5FFFF  }
0x24: {  	[dreg:$0x1] =	wrdreg $0xFFFFFFFF  }
0x25: {  	[dreg:$0x0] =	wrdreg $0x60  }
0x26: {  	[dreg:$0x2] =	wrdreg s2  }
0x27: {  	[dreg:$0x3] =	wrdreg s25  }
0x28: {  	[dreg:$0x4] =	wrdreg $0xA  }
0x29: {  	_ =	task.clear_ibuf [dreg:s7], $0x5FFFF;
	_ =	strace $0x90000046  }
0x2a: {  	s29 =	simm.s32 $0xA;
	_ =	strace $0x80000048  }
0x2b: {  	_ =	swait.ge [sflag:s29], $0x1  }
0x2c: {  	[sflag:s29] =	ssyncadd.s32 $0xFFFFFFFF  }
0x2d: {  	_ =	strace $0x90000048  }
0x2e: {  	_ =	sfence  }
0x2f: {  	s30 =	sld [smem:$0x0];
	_ =	sdelay $0x2  }
0x30: {  	s31 =	sshll.u32 s1, $0xD;
	s1 =	sshrl.u32 s1, $0x2  }
0x31: {  	s3 =	sand.u32 $0x4000, s31;
	s1 =	sadd.s32 s1, s30  }
0x32: {  	s0 =	sor.u32 s3, s0;
	s1 =	sshll.u32 s1, $0x11  }
0x33: {  	s0 =	sor.u32 s1, s0  }
0x34: {  	s0 =	sadd.s32 $0x8F2B, s0  }
0x35: {  	[sflag:s0] =	ssyncadd.remote.s32 $0x1  }
0x36: {  	_ =	sfence.sel $0xFFFF  }
0x37: {  	[dreg:$0x0] =	wrdreg $0xFFFFFFFF;
	(pc) =	sbr.abs _section_cstart, $3  }
0x38: {  	[dreg:$0x1] =	wrdreg $0xFFFFFFFF  }
0x39: {  	_ =	task.clear_ibuf [dreg:s7], $0x2FFFF;
	_ =	strace $0x9FFFFFFF  }
0x3a: {  	(tm) =	ssettm $0x7FFFFFFF  }
0x3b: {  	_ =	shalt  }
tec
execute0_lowered:
.L_overlay_start_1:
0x0: {  	(tag) =	ssettag $0x1  }
0x1: {  	s0 =	srdreg.scid;
	s2 =	rddreg [dreg:$0x0]  }
0x2: {  	s5 =	rddreg [dreg:$0x1];
	s1 =	stileid.u32  }
0x3: {  	s4 =	simm.s32 $0x1;
	s6 =	simm.s32 $0x2;
	s15 =	simm.s32 $0x0  }
0x4: {  	p0 =	por $0x0, $0x0;
	s8 =	simm.s32 $0x80;
	s0 =	sshll.u32 s0, $0x4  }
0x5: {  	s14 =	simm.s32 $0x0;
	s9 =	simm.s32 $0x0;
	s3 =	sand.u32 $0x10, s0  }
.Ltmp0:
0x6: {  	s10 =	simm.s32 $0x0;
	s3 =	sor.u32 s1, s3;
	(pc) =	sbr.rel .LBB1_1-.Ltmp0, $4  }
0x7: {  	s0 =	rddreg [dreg:$0x2];
	_ =	strace $0x80000047;
	s3 =	sshll.u32 s3, $0x7  }
0x8: {  	s12 =	simm.s32 $0x0;
	[sflag:s4] =	ssyncpa.u1 $0x0;
	s7 =	ssub.s32 $0xF4200, s3  }
0x9: {  	s13 =	simm.s32 $0x0;
	[sflag:s6] =	ssyncpa.u1 $0x0;
	s6 =	sshrl.u32 s7, $0xC  }
0xa: {  	s5 =	sadd.s32 $0x2400, s5;
	s11 =	smov.u32 s3;
	s7 =	sadd.s32 $0x2, s6  }
.LBB1_5:
0xb: {  	p1 =	slt.u32 s13, $0x2  }
0xc: {  	s17 =	smov.u32 s15;
	p2 =	sgt.s32 @!p1 s15, $0xF41C0;
	s16 =	sshra.s32 @!p1 s15, $0x1F  }
0xd: {  	p3 =	sgt.s32 @!p1 s14, $0x40;
	s18 =	sshra.s32 @!p1 s14, $0x1F;
	p2 =	por !p2, p1  }
0xe: {  	s15 =	sand.u32 @!p1 s16, s15;
	p3 =	por !p3, p1;
	s16 =	smov.u32 s14  }
0xf: {  	s14 =	sand.u32 @!p1 s18, s14;
	s17 =	simm.s32 @p2 $0xF41C0;
	s16 =	simm.s32 @p3 $0x40  }
0x10: {  	s15 =	ssub.s32 @!p1 s17, s15;
	s14 =	ssub.s32 @!p1 s16, s14  }
0x11: {  	s18 =	smov.u32 s12;
	s16 =	sadd.s32 @!p1 $0xFFF0BE40, s15;
	s17 =	sadd.s32 @!p1 $0xFFFFFFC0, s14  }
0x12: {  	s15 =	ssub.s32 @!p1 $0xF4240, s15;
	p2 =	sgt.s32 @!p1 s16, $0x7F;
	p3 =	sgt.s32 @!p1 s17, $0x3F  }
0x13: {  	s14 =	ssub.s32 @!p1 $0x80, s14;
	p2 =	por !p2, p1;
	p3 =	por !p3, p1  }
0x14: {  	s16 =	sadd.s32 $0x1000, s11;
	s15 =	simm.s32 @!p2 $0x0;
	s14 =	simm.s32 @!p3 $0x0  }
0x15: {  	p2 =	sgt.s32 s16, $0xF423F;
	s14 =	smul.u32 @!p1 s14, s15;
	s15 =	sadd.s32 $0x40, s12  }
0x16: {  	s18 =	smov.u32 @p2 s15  }
0x17: {  	s16 =	smov.u32 @p2 s3;
	p2 =	sgt.s32 s18, $0x3F  }
0x18: {  	s18 =	simm.s32 @p2 $0x0;
	p2 =	sne.s32 s13, s7  }
.Ltmp1:
0x19: {  	p0 =	por !p0, !p0;
	s17 =	simm.s32 @!p1 $0x2;
	(pc) =	sbr.rel @!p2 .LBB1_6-.Ltmp1, $4  }
0x1a: {  	s15 =	smov.u32 s9;
	s9 =	smov.u32 s11;
	s14 =	sand.u32 @!p1 $0x3FFFFFFF, s14  }
0x1b: {  	s11 =	smov.u32 s16;
	_ =	swait.ge @!p1 [sflag:s17], s14;
	s19 =	ssub.s32 @!p1 $0x0, s14  }
0x1c: {  	s14 =	smov.u32 s10;
	s13 =	sadd.s32 $0x1, s13;
	[sflag:s17] =	ssyncset.done @!p1 $0x0  }
0x1d: {  	s10 =	smov.u32 s12;
	s12 =	smov.u32 s18;
	[sflag:s17] =	ssyncadd.s32 @!p1 s19  }
.LBB1_1:
0x1e: {  	p1 =	sgt.u32 s13, s6  }
0x1f: {  	s16 =	sshrl.u32 @!p1 s12, $0x3  }
0x20: {  	s17 =	sshll.u32 @!p1 s11, $0x3;
	s16 =	smul.u32 @!p1 $0x7A1400, s16  }
0x21: {  	s18 =	sshll.u32 @!p1 s12, $0x7;
	s17 =	sand.u32 @!p1 $0xFFFFFC00, s17  }
0x22: {  	s16 =	sadd.s32 @!p1 s16, s17;
	s17 =	sand.u32 @!p1 $0x380, s18  }
0x23: {  	s18 =	sand.u32 @!p1 $0x7F, s11;
	s16 =	sor.u32 @!p1 s17, s16  }
0x24: {  	s17 =	sor.u32 @!p1 s18, s16  }
0x25: {  	s18 =	smulhi.u32 @!p1 $0x218D6287, s17;
	_ =	sdelay $0x1  }
0x26: {  	s16 =	smulhi.u32 @!p1 $0x218D6287, s16;
	s18 =	sshrl.u32 @!p1 s18, $0x11  }
0x27: {  	s18 =	smul.u32 @!p1 $0xF4280, s18  }
0x28: {  	s19 =	sxor.u32 @!p1 $0xFFFFFFFF, s13;
	s16 =	sshrl.u32 @!p1 s16, $0x11  }
0x29: {  	s19 =	sshll.u32 @!p1 s19, $0xD;
	s16 =	sand.u32 @!p1 $0x3F, s16;
	s17 =	ssub.s32 @!p1 s17, s18  }
0x2a: {  	s16 =	smul.u32 @!p1 $0x1E850, s16;
	s18 =	sshrl.u32 @!p1 s17, $0x3;
	s17 =	sand.u32 @!p1 $0x7, s17  }
0x2b: {  	s19 =	sand.u32 @!p1 $0x2000, s19;
	s18 =	sadd.s32 @!p1 s2, s18;
	s17 =	sshll.u32 @!p1 s17, $0x12  }
0x2c: {  	s16 =	sadd.s32 @!p1 s16, s18;
	s17 =	sor.u32 @!p1 $0x400, s17;
	s18 =	simm.s32 @!p1 $0x7A1400  }
0x2d: {  	[tilespmem:s19], [sflag:$0x1] =	stream.strided.gather @!p1 [hbm4b:s16+s17], $0x2000, s18, s17, $0x38;
	[tilespmem:$0x8100] =	vst v63  }
0x2e: {  	p1 =	seq.s32 s13, $0x0  }
0x2f: {  	p2 =	sge.u32 @!p1 s13, s7  }
0x30: {  	p1 =	por p1, p2  }
.Ltmp2:
0x31: {  	_ = 	snop;
	(pc) =	sbr.rel @p1 .LBB1_5-.Ltmp2, $1  }
0x32: {  	_ =	sdelay $0x3  }
0x33: {  	s16 =	simm.s32 $0x1  }
0x34: {  	_ =	swait.ge [sflag:s4], $0x2000;
	s16 =	simm.s32 @!p0 $0x0  }
0x35: {  	[sflag:s4] =	ssyncset.done $0x0;
	s17 =	sshll.u32 s16, $0xD  }
0x36: {  	[sflag:s4] =	ssyncadd.s32 $0xFFFFE000;
	s17 =	sor.u32 $0x40, s17  }
0x37: {  	s16 =	smul.u32 $0x8200, s16;
	v0 =	vld [tilespmem:s17+$0x30]  }
0x38: {  	v1 =	vld [tilespmem:s17+$0xFFFFFFD0]  }
0x39: {  	s16 =	sshrl.u32 s16, $0x2;
	v5 =	vld [tilespmem:s17+$0xFFFFFFE0]  }
0x3a: {  	v6 =	vld [tilespmem:s17+$0xFFFFFFF0];
	s19 =	sor.u32 $0x4000, s16  }
0x3b: {  	s31 =	sand.u32 $0x1, s13;
	v4 =	vld [tilespmem:s17+$0x0];
	s18 =	sadd.s32 $0x0, s19  }
0x3c: {  	v3 =	vld [tilespmem:s17+$0x10];
	s16 =	smul.u32 $0x8200, s31;
	[tilespmem:s18+$0x1C70 ss:$0x41] =	vst.msk $0xffff, v0  }
0x3d: {  	v2 =	vld [tilespmem:s17+$0x20];
	[tilespmem:s18+$0x410 ss:$0x41] =	vst.msk $0xffff, v1  }
0x3e: {  	s16 =	sshrl.u32 s16, $0x2;
	v1 =	vld [tilespmem:s17+$0xFFFFFFC0];
	[tilespmem:s18+$0x820 ss:$0x41] =	vst.msk $0xffff, v5;
	s17 =	sadd.s32 $0x80, s17  }
0x3f: {  	s20 =	simm.s32 $0x4;
	s21 =	simm.s32 $0x8;
	s16 =	sor.u32 $0x4000, s16;
	[tilespmem:s18+$0xC30 ss:$0x41] =	vst.msk $0xffff, v6;
	v0 =	vld [tilespmem:s17+$0x30]  }
.LBB1_3:
0x40: {  	p1 =	sne.s32 s21, $0xFC;
	v5 =	vld [tilespmem:s17+$0xFFFFFFD0];
	[tilespmem:s18+$0x1040 ss:$0x41] =	vst.msk $0xffff, v4  }
0x41: {  	v6 =	vld [tilespmem:s17+$0xFFFFFFE0];
	[tilespmem:s18+$0x1450 ss:$0x41] =	vst.msk $0xffff, v3  }
0x42: {  	s22 =	sshra.s32 s20, $0x2;
	s20 =	smov.u32 s21;
	v7 =	vld [tilespmem:s17+$0xFFFFFFF0];
	[tilespmem:s18+$0x1860 ss:$0x41] =	vst.msk $0xffff, v2  }
.Ltmp3:
0x43: {  	v4 =	vld [tilespmem:s17+$0x0];
	[tilespmem:s18+$0x0 ss:$0x41] =	vst.msk $0xffff, v1;
	s18 =	sadd.s32 s22, s19;
	(pc) =	sbr.rel @p1 .LBB1_3-.Ltmp3, $4  }
0x44: {  	v3 =	vld [tilespmem:s17+$0x10];
	[tilespmem:s18+$0x1C70 ss:$0x41] =	vst.msk $0xffff, v0  }
0x45: {  	[tilespmem:s18+$0x410 ss:$0x41] =	vst.msk $0xffff, v5;
	v2 =	vld [tilespmem:s17+$0x20]  }
0x46: {  	v1 =	vld [tilespmem:s17+$0xFFFFFFC0];
	[tilespmem:s18+$0x820 ss:$0x41] =	vst.msk $0xffff, v6;
	s17 =	sadd.s32 $0x80, s17  }
0x47: {  	s21 =	sadd.s32 $0x4, s21;
	v0 =	vld [tilespmem:s17+$0x30];
	[tilespmem:s18+$0xC30 ss:$0x41] =	vst.msk $0xffff, v7  }
0x48: {  	s21 =	sshll.u32 s9, $0x7;
	s22 =	sshll.u32 s10, $0x3;
	s20 =	sshra.s32 s20, $0x2  }
0x49: {  	p1 =	sgt.s32 s9, $0xF41C0;
	s30 =	sshra.s32 s9, $0x1F;
	s25 =	sshra.s32 s10, $0x1F  }
0x4a: {  	v5 =	vld [tilespmem:s17+$0xFFFFFFD0];
	s28 =	sshrl.u32 s10, $0x3;
	s23 =	sand.u32 $0xFFFFFC00, s21;
	s22 =	sand.u32 $0xFFFFFC00, s22  }
0x4b: {  	[tilespmem:s18+$0x1040 ss:$0x41] =	vst.msk $0xffff, v4;
	v58 =	vld [tilespmem:s17+$0xFFFFFFE0];
	s21 =	sand.u32 $0x380, s21;
	s19 =	sadd.s32 s20, s19;
	s22 =	sadd.s32 s22, s23  }
0x4c: {  	v59 =	vld [tilespmem:s17+$0xFFFFFFF0];
	[tilespmem:s18+$0x1450 ss:$0x41] =	vst.msk $0xffff, v3;
	s29 =	sor.u32 s21, s22;
	s21 =	smov.u32 s9;
	s22 =	sand.u32 s30, s9  }
0x4d: {  	v60 =	vld [tilespmem:s17+$0x0];
	[tilespmem:s18+$0x1860 ss:$0x41] =	vst.msk $0xffff, v2;
	s30 =	sand.u32 $0x7, s10;
	s20 =	sshrl.u32 s29, $0x7;
	s21 =	simm.s32 @!p1 $0xF41C0  }
0x4e: {  	v61 =	vld [tilespmem:s17+$0x10];
	[tilespmem:s18+$0x0 ss:$0x41] =	vst.msk $0xffff, v1;
	p1 =	sgt.s32 s10, $0x40;
	s24 =	ssub.s32 s21, s22;
	s21 =	smov.u32 s10  }
0x4f: {  	v62 =	vld [tilespmem:s17+$0x20];
	[tilespmem:s19+$0x1C70 ss:$0x41] =	vst.msk $0xffff, v0;
	s31 =	smulhi.u32 $0x218DEF5, s20;
	s22 =	sand.u32 s25, s10;
	s21 =	simm.s32 @!p1 $0x40  }
0x50: {  	v63 =	vld [tilespmem:s17+$0xFFFFFFC0];
	[tilespmem:s19+$0x410 ss:$0x41] =	vst.msk $0xffff, v5;
	s26 =	sadd.s32 $0xFFF0BE40, s24;
	s17 =	ssub.s32 $0xF4240, s24;
	s21 =	ssub.s32 s21, s22  }
0x51: {  	[tilespmem:s19+$0x820 ss:$0x41] =	vst.msk $0xffff, v58;
	s23 =	sshrl.u32 s31, $0xD;
	p1 =	sgt.s32 s26, $0x7F;
	s27 =	sadd.s32 $0xFFFFFFC0, s21  }
0x52: {  	[tilespmem:s19+$0xC30 ss:$0x41] =	vst.msk $0xffff, v59;
	s23 =	smul.u32 $0xF4240, s23;
	s18 =	ssub.s32 $0x80, s21;
	p2 =	sgt.s32 s27, $0x3F  }
.Ltmp4:
0x53: {  	[tilespmem:s19+$0x1040 ss:$0x41] =	vst.msk $0xffff, v60;
	s17 =	simm.s32 @p1 $0x0;
	s18 =	simm.s32 @p2 $0x0;
	(pc) =	sbr.rel .LBB1_5-.Ltmp4, $4  }
0x54: {  	s29 =	sand.u32 $0xF, s28;
	[tilespmem:s19+$0x1450 ss:$0x41] =	vst.msk $0xffff, v61;
	s20 =	ssub.s32 s20, s23;
	s17 =	smul.u32 s18, s17  }
0x55: {  	[tilespmem:s19+$0x1860 ss:$0x41] =	vst.msk $0xffff, v62;
	s21 =	sshll.u32 s30, $0x12;
	s20 =	sshll.u32 s20, $0x4;
	s18 =	sadd.s32 s5, s29  }
0x56: {  	[tilespmem:s19+$0x0 ss:$0x41] =	vst.msk $0xffff, v63;
	s31 =	sor.u32 $0x40, s21;
	s18 =	sadd.s32 s20, s18;
	s17 =	sand.u32 $0x3FFFFFFF, s17  }
0x57: {  	[hbm4b:s18+s31] =	stream.strided.scatter [tilespmem:s16], [sflag:$0x2], s17, s8, s31, $0x18;
	[tilespmem:$0x8100] =	vst v63  }
.LBB1_6:
0x58: {  	_ =	sfence.sel $0x180000  }
0x59: {  	s2 =	simm.s32 $0x1;
	[bflag:$0x0] =	sbarrier.arrive $0xFFFF  }
0x5a: {  	s31 =	simm.s32 $0x2;
	[sflag:s2] =	ssyncpa.u1 $0x1  }
0x5b: {  	[sflag:s31] =	ssyncpa.u1 $0x1  }
0x5c: {  	p0 =	sne.s32 s1, $0x0;
	_ =	strace $0x90000047  }
0x5d: {  	s0 =	sadd.s32 @!p0 $0x100000, s0;
	[bflag:$0x2] =	sbarrier.arrive $0xFFFF  }
0x5e: {  	[sflag:s0] =	ssyncadd.tile.s32 @!p0 $0x1;
	_ =	shalt  }
.Lfunc_end1:
_tile_overlayer_lowered:
.L_overlay_start_2:
0x5f: {  	(tag) =	ssettag $0x2  }
0x60: {  	s0 =	rddreg [dreg:$0x0];
	s2 =	stileid.u32  }
0x61: {  	s1 =	rddreg [dreg:$0x1];
	p0 =	sne.s32 s2, $0x0  }
0x62: {  	s3 =	rddreg [dreg:$0x2];
	[bflag:$0x3] =	sbarrier.arrive $0xFFFF;
	s2 =	simm.s32 @!p0 $0x1C01  }
0x63: {  	[timem:s3], [sflag:s2] =	dma.local @!p0 [hbm:s0], s1  }
0x64: {  	s0 =	simm.s32 @!p0 $0x1  }
0x65: {  	_ =	swait.ge @!p0 [sflag:s0], s1  }
0x66: {  	s1 =	ssub.s32 @!p0 $0x0, s1;
	[sflag:s0] =	ssyncset.done @!p0 $0x0  }
0x67: {  	[sflag:s0] =	ssyncadd.s32 @!p0 s1  }
0x68: {  	[bflag:$0x3] =	sbarrier.arrive $0xFFFF  }
0x69: {  	_ =	shalt  }

// kernel: sparse-core-data-format-call.cloned.1.call-start
scs
called_computation_lowered:
.L_overlay_start_0:
0x0: {  	s2 =	sld [smem:$0x3FD9]  }
0x1: {  	s3 =	sld [smem:$0x3FFE];
	_ =	sdelay $0x1  }
0x2: {  	s1 =	srdreg.scid  }
0x3: {  	s0 =	sand.u32 $0x1, s1  }
0x4: {  	s18 =	sshll.u32 s0, $0xA;
	s2 =	sadd.s32 s3, s2  }
0x5: {  	s2 =	sadd.s32 s2, s18  }
0x6: {  	[smem:$0x3FBA] =	sst s2  }
0x7: {  	_ = 	snop  }
0x8: {  	s19 =	sld [smem:$0x3FC5];
	(tm) =	ssettm $0x1  }
0x9: {  	s20 =	sld [smem:$0x3FFB];
	_ =	sdelay $0x3  }
0xa: {  	_ =	strace s20  }
0xb: {  	s2 =	sld [smem:$0x3FFC];
	_ =	sdelay $0x3  }
0xc: {  	_ =	strace s2  }
0xd: {  	s2 =	sld [smem:$0x3FFD];
	_ =	sdelay $0x3  }
0xe: {  	_ =	strace s2  }
0xf: {  	_ =	strace $0x8FFFFFFF  }
0x10: {  	s21 =	sld [smem:$0x3FDB];
	_ =	sdelay $0x1  }
0x11: {  	s4 =	simm.s32 $_scs_section_size  }
0x12: {  	s5 =	simm.s32 $_size__tile_overlayer_lowered;
	s6 =	simm.s32 $_tile_overlayer_lowered  }
0x13: {  	s7 =	simm.s32 $0x1BFF;
	s22 =	sshll.u32 s6, $0x1;
	s4 =	sadd.s32 s4, s21  }
0x14: {  	s23 =	simm.s32 $0x0;
	s5 =	sshll.u32 s5, $0x1;
	s6 =	sadd.s32 s22, s4  }
0x15: {  	[timem:s23], [sflag:s7] =	dma.local [hbm:s6], s5  }
0x16: {  	_ =	swait.ge [sflag:s7], s5  }
0x17: {  	s5 =	ssub.s32 $0x0, s5;
	[sflag:s7] =	ssyncset.done $0x0  }
0x18: {  	[sflag:s7] =	ssyncadd.s32 s5;
	_ =	sdelay $0x1  }
0x19: {  	s24 =	simm.s32 $0x1B8B  }
0x1a: {  	_ =	swait.ge [sflag:s24], $0x1  }
0x1b: {  	[sflag:s24] =	ssyncset.done $0x0  }
0x1c: {  	[sflag:s24] =	ssyncadd.s32 $0xFFFFFFFF  }
0x1d: {  	s5 =	sld [smem:$0x0]  }
0x1e: {  	s6 =	sand.u32 $0xFFFFFFFE, s1  }
0x1f: {  	p0 =	sne.s32 s1, s6  }
0x20: {  	s6 =	sshll.u32 @p0 s6, $0xE  }
0x21: {  	s6 =	sadd.s32 @p0 $0x11B8D, s6;
	s7 =	sshll.u32 @p0 s5, $0x11  }
0x22: {  	s6 =	sor.u32 @p0 s7, s6  }
0x23: {  	[sflag:s6] =	ssyncadd.remote.s32 @p0 $0x1;
	_ =	sdelay $0x1  }
0x24: {  	s6 =	simm.s32 @p0 $0x1B8D  }
0x25: {  	_ =	swait.eq @p0 [sflag:s6], $0x1  }
0x26: {  	[sflag:s6] =	ssyncadd.s32 @p0 $0xFFFFFFFF  }
0x27: {  	s7 =	sshll.u32 @!p0 s1, $0xE  }
0x28: {  	s7 =	sor.u32 @!p0 $0x4000, s7;
	s6 =	simm.s32 @!p0 $0x1B8D  }
0x29: {  	s5 =	sshll.u32 @!p0 s5, $0x11;
	s7 =	sadd.s32 @!p0 $0x11B8D, s7;
	_ =	swait.eq @!p0 [sflag:s6], $0x1  }
0x2a: {  	s5 =	sor.u32 @!p0 s5, s7;
	[sflag:s6] =	ssyncadd.s32 @!p0 $0xFFFFFFFF  }
0x2b: {  	s26 =	simm.s32 $0x1B8E;
	s25 =	sld [smem:$0x3FFE];
	[sflag:s5] =	ssyncadd.remote.s32 @!p0 $0x1  }
0x2c: {  	s27 =	simm.s32 $execute0_lowered;
	[smem:$0x3FD2] =	sst s26  }
0x2d: {  	s6 =	sshll.u32 s27, $0x1;
	_ =	strace $0x80000049;
	[dreg:$0x1] =	wrdreg $0xFFFFFFFF  }
0x2e: {  	s28 =	simm.s32 $_size_execute0_lowered;
	s4 =	sadd.s32 s4, s6;
	[dreg:$0x0] =	wrdreg $0x0  }
0x2f: {  	s6 =	sshll.u32 s28, $0x1;
	[dreg:$0x2] =	wrdreg s4  }
0x30: {  	[dreg:$0x3] =	wrdreg s6  }
0x31: {  	[dreg:$0x4] =	wrdreg $0xC0  }
0x32: {  	_ =	task [dreg:s23], $0x5FFFF  }
0x33: {  	[dreg:$0x1] =	wrdreg $0xFFFFFFFF  }
0x34: {  	[dreg:$0x0] =	wrdreg $0x60  }
0x35: {  	[dreg:$0x2] =	wrdreg s19  }
0x36: {  	[dreg:$0x3] =	wrdreg s25  }
0x37: {  	[dreg:$0x4] =	wrdreg $0x9  }
0x38: {  	_ =	task.clear_ibuf [dreg:s23], $0x5FFFF;
	_ =	strace $0x90000049  }
0x39: {  	s29 =	simm.s32 $0x9;
	_ =	strace $0x8000004B  }
0x3a: {  	_ =	swait.ge [sflag:s29], $0x1  }
0x3b: {  	[sflag:s29] =	ssyncadd.s32 $0xFFFFFFFF  }
0x3c: {  	_ =	strace $0x9000004B  }
0x3d: {  	_ =	sfence  }
0x3e: {  	s30 =	sld [smem:$0x0];
	_ =	sdelay $0x2  }
0x3f: {  	s31 =	sshll.u32 s1, $0xD;
	s1 =	sshrl.u32 s1, $0x2  }
0x40: {  	s4 =	sand.u32 $0x4000, s31;
	s1 =	sadd.s32 s1, s30  }
0x41: {  	s0 =	sor.u32 s4, s0;
	s1 =	sshll.u32 s1, $0x11  }
0x42: {  	s0 =	sor.u32 s1, s0  }
0x43: {  	s0 =	sadd.s32 $0x8F2B, s0  }
0x44: {  	[sflag:s0] =	ssyncadd.remote.s32 $0x1  }
0x45: {  	_ =	sfence.sel $0xFFFF  }
0x46: {  	[dreg:$0x0] =	wrdreg $0xFFFFFFFF;
	(pc) =	sbr.abs _section_cstart, $3  }
0x47: {  	[dreg:$0x1] =	wrdreg $0xFFFFFFFF  }
0x48: {  	_ =	task.clear_ibuf [dreg:s23], $0x2FFFF;
	_ =	strace $0x9FFFFFFF  }
0x49: {  	(tm) =	ssettm $0x7FFFFFFF  }
tec
execute0_lowered:
.L_overlay_start_1:
0x0: {  	(tag) =	ssettag $0x1  }
0x1: {  	s0 =	srdreg.scid;
	s2 =	rddreg [dreg:$0x0]  }
0x2: {  	s5 =	rddreg [dreg:$0x1];
	s1 =	stileid.u32  }
0x3: {  	s4 =	simm.s32 $0x1;
	s6 =	simm.s32 $0x2;
	s15 =	simm.s32 $0x0  }
0x4: {  	p0 =	por $0x0, $0x0;
	s8 =	simm.s32 $0x80;
	s0 =	sshll.u32 s0, $0x4  }
0x5: {  	s14 =	simm.s32 $0x0;
	s9 =	simm.s32 $0x0;
	s3 =	sand.u32 $0x10, s0  }
.Ltmp0:
0x6: {  	s10 =	simm.s32 $0x0;
	s3 =	sor.u32 s1, s3;
	(pc) =	sbr.rel .LBB1_1-.Ltmp0, $4  }
0x7: {  	s0 =	rddreg [dreg:$0x2];
	_ =	strace $0x8000004A;
	s3 =	sshll.u32 s3, $0x7  }
0x8: {  	s12 =	simm.s32 $0x0;
	[sflag:s4] =	ssyncpa.u1 $0x0;
	s7 =	ssub.s32 $0xF4200, s3  }
0x9: {  	s13 =	simm.s32 $0x0;
	[sflag:s6] =	ssyncpa.u1 $0x0;
	s6 =	sshrl.u32 s7, $0xC  }
0xa: {  	s5 =	sadd.s32 $0xF44800, s5;
	s11 =	smov.u32 s3;
	s7 =	sadd.s32 $0x2, s6  }
.LBB1_5:
0xb: {  	p1 =	slt.u32 s13, $0x2  }
0xc: {  	s17 =	smov.u32 s15;
	p2 =	sgt.s32 @!p1 s15, $0xF41C0;
	s16 =	sshra.s32 @!p1 s15, $0x1F  }
0xd: {  	p3 =	sgt.s32 @!p1 s14, $0x40;
	s18 =	sshra.s32 @!p1 s14, $0x1F;
	p2 =	por !p2, p1  }
0xe: {  	s15 =	sand.u32 @!p1 s16, s15;
	p3 =	por !p3, p1;
	s16 =	smov.u32 s14  }
0xf: {  	s14 =	sand.u32 @!p1 s18, s14;
	s17 =	simm.s32 @p2 $0xF41C0;
	s16 =	simm.s32 @p3 $0x40  }
0x10: {  	s15 =	ssub.s32 @!p1 s17, s15;
	s14 =	ssub.s32 @!p1 s16, s14  }
0x11: {  	s18 =	smov.u32 s12;
	s16 =	sadd.s32 @!p1 $0xFFF0BE40, s15;
	s17 =	sadd.s32 @!p1 $0xFFFFFFC0, s14  }
0x12: {  	s15 =	ssub.s32 @!p1 $0xF4240, s15;
	p2 =	sgt.s32 @!p1 s16, $0x7F;
	p3 =	sgt.s32 @!p1 s17, $0x3F  }
0x13: {  	s14 =	ssub.s32 @!p1 $0x80, s14;
	p2 =	por !p2, p1;
	p3 =	por !p3, p1  }
0x14: {  	s16 =	sadd.s32 $0x1000, s11;
	s15 =	simm.s32 @!p2 $0x0;
	s14 =	simm.s32 @!p3 $0x0  }
0x15: {  	p2 =	sgt.s32 s16, $0xF423F;
	s14 =	smul.u32 @!p1 s14, s15;
	s15 =	sadd.s32 $0x40, s12  }
0x16: {  	s18 =	smov.u32 @p2 s15  }
0x17: {  	s16 =	smov.u32 @p2 s3;
	p2 =	sgt.s32 s18, $0x3F  }
0x18: {  	s18 =	simm.s32 @p2 $0x0;
	p2 =	sne.s32 s13, s7  }
.Ltmp1:
0x19: {  	p0 =	por !p0, !p0;
	s17 =	simm.s32 @!p1 $0x2;
	(pc) =	sbr.rel @!p2 .LBB1_6-.Ltmp1, $4  }
0x1a: {  	s15 =	smov.u32 s9;
	s9 =	smov.u32 s11;
	s14 =	sand.u32 @!p1 $0x3FFFFFFF, s14  }
0x1b: {  	s11 =	smov.u32 s16;
	_ =	swait.ge @!p1 [sflag:s17], s14;
	s19 =	ssub.s32 @!p1 $0x0, s14  }
0x1c: {  	s14 =	smov.u32 s10;
	s13 =	sadd.s32 $0x1, s13;
	[sflag:s17] =	ssyncset.done @!p1 $0x0  }
0x1d: {  	s10 =	smov.u32 s12;
	s12 =	smov.u32 s18;
	[sflag:s17] =	ssyncadd.s32 @!p1 s19  }
.LBB1_1:
0x1e: {  	p1 =	sgt.u32 s13, s6  }
0x1f: {  	s16 =	sshrl.u32 @!p1 s12, $0x3  }
0x20: {  	s17 =	sshll.u32 @!p1 s11, $0x3;
	s16 =	smul.u32 @!p1 $0x7A1400, s16  }
0x21: {  	s18 =	sshll.u32 @!p1 s12, $0x7;
	s17 =	sand.u32 @!p1 $0xFFFFFC00, s17  }
0x22: {  	s16 =	sadd.s32 @!p1 s16, s17;
	s17 =	sand.u32 @!p1 $0x380, s18  }
0x23: {  	s18 =	sand.u32 @!p1 $0x7F, s11;
	s16 =	sor.u32 @!p1 s17, s16  }
0x24: {  	s17 =	sor.u32 @!p1 s18, s16  }
0x25: {  	s18 =	smulhi.u32 @!p1 $0x218D6287, s17;
	_ =	sdelay $0x1  }
0x26: {  	s16 =	smulhi.u32 @!p1 $0x218D6287, s16;
	s18 =	sshrl.u32 @!p1 s18, $0x11  }
0x27: {  	s18 =	smul.u32 @!p1 $0xF4280, s18  }
0x28: {  	s19 =	sxor.u32 @!p1 $0xFFFFFFFF, s13;
	s16 =	sshrl.u32 @!p1 s16, $0x11  }
0x29: {  	s19 =	sshll.u32 @!p1 s19, $0xD;
	s16 =	sand.u32 @!p1 $0x3F, s16;
	s17 =	ssub.s32 @!p1 s17, s18  }
0x2a: {  	s16 =	smul.u32 @!p1 $0x1E850, s16;
	s18 =	sshrl.u32 @!p1 s17, $0x3;
	s17 =	sand.u32 @!p1 $0x7, s17  }
0x2b: {  	s19 =	sand.u32 @!p1 $0x2000, s19;
	s18 =	sadd.s32 @!p1 s2, s18;
	s17 =	sshll.u32 @!p1 s17, $0x12  }
0x2c: {  	s16 =	sadd.s32 @!p1 s16, s18;
	s17 =	sor.u32 @!p1 $0x400, s17;
	s18 =	simm.s32 @!p1 $0x7A1400  }
0x2d: {  	[tilespmem:s19], [sflag:$0x1] =	stream.strided.gather @!p1 [hbm4b:s16+s17], $0x2000, s18, s17, $0x38;
	[tilespmem:$0x8100] =	vst v63  }
0x2e: {  	p1 =	seq.s32 s13, $0x0  }
0x2f: {  	p2 =	sge.u32 @!p1 s13, s7  }
0x30: {  	p1 =	por p1, p2  }
.Ltmp2:
0x31: {  	_ = 	snop;
	(pc) =	sbr.rel @p1 .LBB1_5-.Ltmp2, $1  }
0x32: {  	_ =	sdelay $0x3  }
0x33: {  	s16 =	simm.s32 $0x1  }
0x34: {  	_ =	swait.ge [sflag:s4], $0x2000;
	s16 =	simm.s32 @!p0 $0x0  }
0x35: {  	[sflag:s4] =	ssyncset.done $0x0;
	s17 =	sshll.u32 s16, $0xD  }
0x36: {  	[sflag:s4] =	ssyncadd.s32 $0xFFFFE000;
	s17 =	sor.u32 $0x40, s17  }
0x37: {  	s16 =	smul.u32 $0x8200, s16;
	v0 =	vld [tilespmem:s17+$0x30]  }
0x38: {  	v1 =	vld [tilespmem:s17+$0xFFFFFFD0]  }
0x39: {  	s16 =	sshrl.u32 s16, $0x2;
	v5 =	vld [tilespmem:s17+$0xFFFFFFE0]  }
0x3a: {  	v6 =	vld [tilespmem:s17+$0xFFFFFFF0];
	s19 =	sor.u32 $0x4000, s16  }
0x3b: {  	s31 =	sand.u32 $0x1, s13;
	v4 =	vld [tilespmem:s17+$0x0];
	s18 =	sadd.s32 $0x0, s19  }
0x3c: {  	v3 =	vld [tilespmem:s17+$0x10];
	s16 =	smul.u32 $0x8200, s31;
	[tilespmem:s18+$0x1C70 ss:$0x41] =	vst.msk $0xffff, v0  }
0x3d: {  	v2 =	vld [tilespmem:s17+$0x20];
	[tilespmem:s18+$0x410 ss:$0x41] =	vst.msk $0xffff, v1  }
0x3e: {  	s16 =	sshrl.u32 s16, $0x2;
	v1 =	vld [tilespmem:s17+$0xFFFFFFC0];
	[tilespmem:s18+$0x820 ss:$0x41] =	vst.msk $0xffff, v5;
	s17 =	sadd.s32 $0x80, s17  }
0x3f: {  	s20 =	simm.s32 $0x4;
	s21 =	simm.s32 $0x8;
	s16 =	sor.u32 $0x4000, s16;
	[tilespmem:s18+$0xC30 ss:$0x41] =	vst.msk $0xffff, v6;
	v0 =	vld [tilespmem:s17+$0x30]  }
.LBB1_3:
0x40: {  	p1 =	sne.s32 s21, $0xFC;
	v5 =	vld [tilespmem:s17+$0xFFFFFFD0];
	[tilespmem:s18+$0x1040 ss:$0x41] =	vst.msk $0xffff, v4  }
0x41: {  	v6 =	vld [tilespmem:s17+$0xFFFFFFE0];
	[tilespmem:s18+$0x1450 ss:$0x41] =	vst.msk $0xffff, v3  }
0x42: {  	s22 =	sshra.s32 s20, $0x2;
	s20 =	smov.u32 s21;
	v7 =	vld [tilespmem:s17+$0xFFFFFFF0];
	[tilespmem:s18+$0x1860 ss:$0x41] =	vst.msk $0xffff, v2  }
.Ltmp3:
0x43: {  	v4 =	vld [tilespmem:s17+$0x0];
	[tilespmem:s18+$0x0 ss:$0x41] =	vst.msk $0xffff, v1;
	s18 =	sadd.s32 s22, s19;
	(pc) =	sbr.rel @p1 .LBB1_3-.Ltmp3, $4  }
0x44: {  	v3 =	vld [tilespmem:s17+$0x10];
	[tilespmem:s18+$0x1C70 ss:$0x41] =	vst.msk $0xffff, v0  }
0x45: {  	[tilespmem:s18+$0x410 ss:$0x41] =	vst.msk $0xffff, v5;
	v2 =	vld [tilespmem:s17+$0x20]  }
0x46: {  	v1 =	vld [tilespmem:s17+$0xFFFFFFC0];
	[tilespmem:s18+$0x820 ss:$0x41] =	vst.msk $0xffff, v6;
	s17 =	sadd.s32 $0x80, s17  }
0x47: {  	s21 =	sadd.s32 $0x4, s21;
	v0 =	vld [tilespmem:s17+$0x30];
	[tilespmem:s18+$0xC30 ss:$0x41] =	vst.msk $0xffff, v7  }
0x48: {  	s21 =	sshll.u32 s9, $0x7;
	s22 =	sshll.u32 s10, $0x3;
	s20 =	sshra.s32 s20, $0x2  }
0x49: {  	p1 =	sgt.s32 s9, $0xF41C0;
	s30 =	sshra.s32 s9, $0x1F;
	s25 =	sshra.s32 s10, $0x1F  }
0x4a: {  	v5 =	vld [tilespmem:s17+$0xFFFFFFD0];
	s28 =	sshrl.u32 s10, $0x3;
	s23 =	sand.u32 $0xFFFFFC00, s21;
	s22 =	sand.u32 $0xFFFFFC00, s22  }
0x4b: {  	[tilespmem:s18+$0x1040 ss:$0x41] =	vst.msk $0xffff, v4;
	v58 =	vld [tilespmem:s17+$0xFFFFFFE0];
	s21 =	sand.u32 $0x380, s21;
	s19 =	sadd.s32 s20, s19;
	s22 =	sadd.s32 s22, s23  }
0x4c: {  	v59 =	vld [tilespmem:s17+$0xFFFFFFF0];
	[tilespmem:s18+$0x1450 ss:$0x41] =	vst.msk $0xffff, v3;
	s29 =	sor.u32 s21, s22;
	s21 =	smov.u32 s9;
	s22 =	sand.u32 s30, s9  }
0x4d: {  	v60 =	vld [tilespmem:s17+$0x0];
	[tilespmem:s18+$0x1860 ss:$0x41] =	vst.msk $0xffff, v2;
	s30 =	sand.u32 $0x7, s10;
	s20 =	sshrl.u32 s29, $0x7;
	s21 =	simm.s32 @!p1 $0xF41C0  }
0x4e: {  	v61 =	vld [tilespmem:s17+$0x10];
	[tilespmem:s18+$0x0 ss:$0x41] =	vst.msk $0xffff, v1;
	p1 =	sgt.s32 s10, $0x40;
	s24 =	ssub.s32 s21, s22;
	s21 =	smov.u32 s10  }
0x4f: {  	v62 =	vld [tilespmem:s17+$0x20];
	[tilespmem:s19+$0x1C70 ss:$0x41] =	vst.msk $0xffff, v0;
	s31 =	smulhi.u32 $0x218DEF5, s20;
	s22 =	sand.u32 s25, s10;
	s21 =	simm.s32 @!p1 $0x40  }
0x50: {  	v63 =	vld [tilespmem:s17+$0xFFFFFFC0];
	[tilespmem:s19+$0x410 ss:$0x41] =	vst.msk $0xffff, v5;
	s26 =	sadd.s32 $0xFFF0BE40, s24;
	s17 =	ssub.s32 $0xF4240, s24;
	s21 =	ssub.s32 s21, s22  }
0x51: {  	[tilespmem:s19+$0x820 ss:$0x41] =	vst.msk $0xffff, v58;
	s23 =	sshrl.u32 s31, $0xD;
	p1 =	sgt.s32 s26, $0x7F;
	s27 =	sadd.s32 $0xFFFFFFC0, s21  }
0x52: {  	[tilespmem:s19+$0xC30 ss:$0x41] =	vst.msk $0xffff, v59;
	s23 =	smul.u32 $0xF4240, s23;
	s18 =	ssub.s32 $0x80, s21;
	p2 =	sgt.s32 s27, $0x3F  }
.Ltmp4:
0x53: {  	[tilespmem:s19+$0x1040 ss:$0x41] =	vst.msk $0xffff, v60;
	s17 =	simm.s32 @p1 $0x0;
	s18 =	simm.s32 @p2 $0x0;
	(pc) =	sbr.rel .LBB1_5-.Ltmp4, $4  }
0x54: {  	s29 =	sand.u32 $0xF, s28;
	[tilespmem:s19+$0x1450 ss:$0x41] =	vst.msk $0xffff, v61;
	s20 =	ssub.s32 s20, s23;
	s17 =	smul.u32 s18, s17  }
0x55: {  	[tilespmem:s19+$0x1860 ss:$0x41] =	vst.msk $0xffff, v62;
	s21 =	sshll.u32 s30, $0x12;
	s20 =	sshll.u32 s20, $0x4;
	s18 =	sadd.s32 s5, s29  }
0x56: {  	[tilespmem:s19+$0x0 ss:$0x41] =	vst.msk $0xffff, v63;
	s31 =	sor.u32 $0x40, s21;
	s18 =	sadd.s32 s20, s18;
	s17 =	sand.u32 $0x3FFFFFFF, s17  }
0x57: {  	[hbm4b:s18+s31] =	stream.strided.scatter [tilespmem:s16], [sflag:$0x2], s17, s8, s31, $0x18;
	[tilespmem:$0x8100] =	vst v63  }
.LBB1_6:
0x58: {  	_ =	sfence.sel $0x180000  }
0x59: {  	s2 =	simm.s32 $0x1;
	[bflag:$0x0] =	sbarrier.arrive $0xFFFF  }
0x5a: {  	s31 =	simm.s32 $0x2;
	[sflag:s2] =	ssyncpa.u1 $0x1  }
0x5b: {  	[sflag:s31] =	ssyncpa.u1 $0x1  }
0x5c: {  	p0 =	sne.s32 s1, $0x0;
	_ =	strace $0x9000004A  }
0x5d: {  	s0 =	sadd.s32 @!p0 $0x100000, s0;
	[bflag:$0x2] =	sbarrier.arrive $0xFFFF  }
0x5e: {  	[sflag:s0] =	ssyncadd.tile.s32 @!p0 $0x1;
	_ =	shalt  }
.Lfunc_end1:
_tile_overlayer_lowered:
.L_overlay_start_2:
0x5f: {  	(tag) =	ssettag $0x2  }
0x60: {  	s0 =	rddreg [dreg:$0x0];
	s2 =	stileid.u32  }
0x61: {  	s1 =	rddreg [dreg:$0x1];
	p0 =	sne.s32 s2, $0x0  }
0x62: {  	s3 =	rddreg [dreg:$0x2];
	[bflag:$0x3] =	sbarrier.arrive $0xFFFF;
	s2 =	simm.s32 @!p0 $0x1C01  }
0x63: {  	[timem:s3], [sflag:s2] =	dma.local @!p0 [hbm:s0], s1  }
0x64: {  	s0 =	simm.s32 @!p0 $0x1  }
0x65: {  	_ =	swait.ge @!p0 [sflag:s0], s1  }
0x66: {  	s1 =	ssub.s32 @!p0 $0x0, s1;
	[sflag:s0] =	ssyncset.done @!p0 $0x0  }
0x67: {  	[sflag:s0] =	ssyncadd.s32 @!p0 s1  }
0x68: {  	[bflag:$0x3] =	sbarrier.arrive $0xFFFF  }
0x69: {  	_ =	shalt  }

</sc_bundles>
